<compile_context>
chip_gen: v7x
topology: tpu7x:2x2x1
jax: 0.10.2.dev20260603
libtpu: 0.0.44.dev20260713+nightly
codegen_flags: <defaults>
</compile_context>

<pallas_src>
import functools

import jax
import jax.numpy as jnp
from jax import lax
from jax.experimental import pallas as pl
from jax.experimental.pallas import tpu as pltpu
from jax.experimental.pallas import tpu_sc as plsc

V = 100000
D = 64
H = 128
B = 8
S = 32
N = B * S
VBLK = 8192
NC = 2
NS = 16
NW = NC * NS
TOK_PER_W = N // NW
E = B * S * S
CHUNK = 128
NCHUNK = E // (NW * CHUNK)


def _sc_mesh():
    return plsc.VectorSubcoreMesh(
        core_axis_name="c", subcore_axis_name="s", num_cores=NC,
        num_subcores=NS)


def _make_sc_gather():
    @functools.partial(
        pl.kernel,
        mesh=_sc_mesh(),
        compiler_params=pltpu.CompilerParams(use_tc_tiling_on_sc=False),
        out_type=jax.ShapeDtypeStruct((N, D), jnp.float32),
        scratch_types=[
            pltpu.VMEM((TOK_PER_W,), jnp.int32),
            pltpu.VMEM((TOK_PER_W, D), jnp.float32),
            pltpu.SemaphoreType.DMA,
        ],
    )
    def sc_gather(table_hbm, idx_hbm, out_hbm, idx_v, rows_v, sem):
        wid = lax.axis_index("s") * NC + lax.axis_index("c")
        base = wid * TOK_PER_W
        pltpu.sync_copy(idx_hbm.at[pl.ds(base, TOK_PER_W)], idx_v)
        pltpu.async_copy(table_hbm.at[idx_v], rows_v, sem).wait()
        pltpu.sync_copy(rows_v, out_hbm.at[pl.ds(base, TOK_PER_W)])

    return sc_gather


def _make_sc_fix():
    @functools.partial(
        pl.kernel,
        mesh=_sc_mesh(),
        compiler_params=pltpu.CompilerParams(use_tc_tiling_on_sc=False),
        out_type=(),
        scratch_types=[
            pltpu.VMEM((CHUNK,), jnp.int32),
            pltpu.VMEM((CHUNK,), jnp.float32),
            pltpu.VMEM((CHUNK,), jnp.float32),
            pltpu.SemaphoreType.DMA,
        ],
    )
    def sc_fix(out_flat_ref, idx_hbm, cv_hbm, idx_v, cur_v, cv_v, sem):
        wid = lax.axis_index("s") * NC + lax.axis_index("c")
        for j in range(NCHUNK):
            pltpu.sync_copy(idx_hbm.at[wid, j], idx_v)
            pltpu.sync_copy(cv_hbm.at[wid, j], cv_v)
            pltpu.async_copy(out_flat_ref.at[idx_v], cur_v, sem).wait()
            for c in range(CHUNK // 16):
                sl = pl.ds(c * 16, 16)
                cur_v[sl] = cur_v[sl] + cv_v[sl]
            pltpu.async_copy(cur_v, out_flat_ref.at[idx_v], sem).wait()

    return sc_fix


def _coeffs_body(ids_vmem, ids_col, embs, W_ih, W_hh, b_ih, b_hh,
                 W_he, b_he, wrd, bias3, mscale,
                 proj_ref, cv_ref,
                 xproj_ref, states_ref):
    xproj_ref[...] = lax.dot_general(
        embs[...], W_ih[...], (((1,), (1,)), ((), ())),
        preferred_element_type=jnp.float32) + b_ih[...]

    Whh = W_hh[...]
    bhh = b_hh[...]

    def _step(t, h):
        xg = xproj_ref[pl.ds(t * B, B), :]
        hg = lax.dot_general(h, Whh, (((1,), (1,)), ((), ())),
                             preferred_element_type=jnp.float32) + bhh
        xr, xz, xn = xg[:, :H], xg[:, H:2 * H], xg[:, 2 * H:]
        hr, hz, hn = hg[:, :H], hg[:, H:2 * H], hg[:, 2 * H:]
        r = jax.nn.sigmoid(xr + hr)
        z = jax.nn.sigmoid(xz + hz)
        nn_ = jnp.tanh(xn + r * hn)
        h_new = (1.0 - z) * nn_ + z * h
        states_ref[:, pl.ds(t, 1), :] = h_new.reshape(B, 1, H)
        return h_new

    lax.fori_loop(0, S, _step, jnp.zeros((B, H), jnp.float32))

    br = bias3[0, 0]
    bw = bias3[0, 1]
    bd = bias3[0, 2]
    ms = mscale[0, 0]
    Whe = W_he[...]
    bhe = b_he[...]
    wrd_v = wrd[...]

    iota_t = lax.broadcasted_iota(jnp.int32, (S, S), 0)
    iota_j = lax.broadcasted_iota(jnp.int32, (S, S), 1)
    mask_lt = iota_j < iota_t
    lt_le_col = jnp.where(iota_j < iota_t, 1.0, 0.0)
    le_row = jnp.where(iota_t <= iota_j, 1.0, 0.0)

    for b in range(B):
        st_b = states_ref[b, :, :]
        proj_ref[b * S:(b + 1) * S, :] = lax.dot_general(
            st_b, Whe, (((1,), (1,)), ((), ())),
            preferred_element_type=jnp.float32) + bhe
        g_col = lax.dot_general(st_b, wrd_v, (((1,), (1,)), ((), ())),
                                preferred_element_type=jnp.float32)
        g_row = lax.dot_general(wrd_v, st_b, (((1,), (1,)), ((), ())),
                                preferred_element_type=jnp.float32)
        read_col = jax.nn.sigmoid(g_col[:, 0:1] + br) * ms
        write_row = jax.nn.sigmoid(g_row[1:2, :] + bw)
        dec_col = jax.nn.sigmoid(g_col[:, 2:3] + bd)
        dec_row = jax.nn.sigmoid(g_row[2:3, :] + bd)
        ld_col = jnp.log(jnp.maximum(dec_col, 1e-30))
        ld_row = jnp.log(jnp.maximum(dec_row, 1e-30))
        cum_row = lax.dot_general(ld_row, le_row, (((1,), (0,)), ((), ())),
                                  preferred_element_type=jnp.float32)
        cum_tm1_col = lax.dot_general(lt_le_col, ld_col,
                                      (((1,), (0,)), ((), ())),
                                      preferred_element_type=jnp.float32)
        arg = jnp.where(mask_lt, cum_tm1_col - cum_row, -1e30)
        a3_b = jnp.exp(arg) * write_row * read_col
        ids_row_b = ids_vmem[b:b + 1, :]
        ids_col_b = ids_col[b, :, :]
        eq_b = jnp.where(ids_col_b == ids_row_b, 1.0, 0.0)
        cv_ref[b, :, :] = lax.dot_general(
            a3_b, eq_b, (((1,), (1,)), ((), ())),
            preferred_element_type=jnp.float32)


def _logits_body(proj, emb_blk, bias_blk, out_ref):
    out_ref[...] = lax.dot_general(
        proj[...], emb_blk[...], (((1,), (1,)), ((), ())),
        preferred_element_type=jnp.float32) + bias_blk[...]


def kernel(input_ids, emb, W_ih, W_hh, b_ih, b_hh, W_he, b_he, out_bias,
           w_read, b_read, w_write, b_write, w_decay, b_decay, mem_scale):
    ids = input_ids.astype(jnp.int32)
    ids_col = ids.reshape(B, S, 1)
    ids_tmaj = ids.T.reshape(N)
    wrd = jnp.concatenate([w_read, w_write, w_decay], axis=0)
    bias3 = jnp.stack([b_read[0], b_write[0], b_decay[0]]).reshape(1, 3)
    mscale = mem_scale.reshape(1, 1)

    embs = _make_sc_gather()(emb, ids_tmaj)

    proj, cv = pl.pallas_call(
        _coeffs_body,
        in_specs=[
            pl.BlockSpec(memory_space=pltpu.VMEM),
            pl.BlockSpec(memory_space=pltpu.VMEM),
            pl.BlockSpec(memory_space=pltpu.VMEM),
            pl.BlockSpec(memory_space=pltpu.VMEM),
            pl.BlockSpec(memory_space=pltpu.VMEM),
            pl.BlockSpec(memory_space=pltpu.VMEM),
            pl.BlockSpec(memory_space=pltpu.VMEM),
            pl.BlockSpec(memory_space=pltpu.VMEM),
            pl.BlockSpec(memory_space=pltpu.VMEM),
            pl.BlockSpec(memory_space=pltpu.VMEM),
            pl.BlockSpec(memory_space=pltpu.SMEM),
            pl.BlockSpec(memory_space=pltpu.SMEM),
        ],
        out_shape=[
            jax.ShapeDtypeStruct((N, D), jnp.float32),
            jax.ShapeDtypeStruct((B, S, S), jnp.float32),
        ],
        scratch_shapes=[
            pltpu.VMEM((N, 3 * H), jnp.float32),
            pltpu.VMEM((B, S, H), jnp.float32),
        ],
    )(ids, ids_col, embs, W_ih, W_hh, b_ih.reshape(1, 3 * H),
      b_hh.reshape(1, 3 * H), W_he, b_he.reshape(1, D), wrd, bias3, mscale)

    nblk = (V + VBLK - 1) // VBLK
    out2d = pl.pallas_call(
        _logits_body,
        grid=(nblk,),
        in_specs=[
            pl.BlockSpec((N, D), lambda i: (0, 0)),
            pl.BlockSpec((VBLK, D), lambda i: (i, 0)),
            pl.BlockSpec((1, VBLK), lambda i: (0, i)),
        ],
        out_specs=pl.BlockSpec((N, VBLK), lambda i: (0, i)),
        out_shape=jax.ShapeDtypeStruct((N, V), jnp.float32),
    )(proj, emb, out_bias.reshape(1, V))

    t_ar = jnp.arange(S, dtype=jnp.int32)
    b_ar = jnp.arange(B, dtype=jnp.int32)
    flat_idx = ((b_ar[:, None, None] * S + t_ar[None, :, None]) * V
                + ids[:, None, :])
    idx3 = flat_idx.reshape(NW, NCHUNK, CHUNK)
    cv3 = cv.reshape(NW, NCHUNK, CHUNK)

    buf = jax.new_ref(out2d.reshape(N * V))
    _make_sc_fix()(buf, idx3, cv3)
    return buf[...].reshape(B, S, V)

# --- scband reference (transcript-rebuilt; emitter-appended) ---
"""Pipeline reference for scband-decayed-vote-associative-lm-34368328303151 (READ-ONLY COPY).

The authoritative reference and input builder live on the scoring server;
editing this copy changes nothing except your own understanding.
"""

import jax, jax.numpy as jnp
import numpy as np

V = 100000
D = 64
H = 128
B = 8
S = 32


def setup_inputs(seed: int = 0) -> dict:
    key = jax.random.key(seed)
    ks = jax.random.split(key, 10)

    def n(k, shape, scale):
        return jax.random.normal(k, shape, dtype=jnp.float32) * scale

    return {
        "input_ids": jax.random.randint(ks[0], (B, S), 0, V),
        "emb": n(ks[1], (V, D), 0.02),
        "W_ih": n(ks[2], (3 * H, D), 0.05),
        "W_hh": n(ks[3], (3 * H, H), 0.05),
        "b_ih": jnp.zeros((3 * H,), dtype=jnp.float32),
        "b_hh": jnp.zeros((3 * H,), dtype=jnp.float32),
        "W_he": n(ks[4], (D, H), 0.05),
        "b_he": jnp.zeros((D,), dtype=jnp.float32),
        "out_bias": jnp.zeros((V,), dtype=jnp.float32),
        "w_read": n(ks[5], (1, H), 0.05),
        "b_read": jnp.zeros((1,), dtype=jnp.float32),
        "w_write": n(ks[6], (1, H), 0.05),
        "b_write": jnp.zeros((1,), dtype=jnp.float32),
        "w_decay": n(ks[7], (1, H), 0.05),
        "b_decay": jnp.zeros((1,), dtype=jnp.float32),
        "mem_scale": jnp.asarray(4.0, dtype=jnp.float32),
    }


def _gru(emb_seq, W_ih, W_hh, b_ih, b_hh):
    # emb_seq: [B, S, D] -> states [B, S, H]; torch GRU gate order (r, z, n)
    Bn = emb_seq.shape[0]
    Hn = W_hh.shape[1]
    x_proj = jnp.einsum('bsd,gd->bsg', emb_seq, W_ih) + b_ih  # [B, S, 3H]

    def step(h, xg):
        hg = h @ W_hh.T + b_hh
        xr, xz, xn = jnp.split(xg, 3, axis=-1)
        hr, hz, hn = jnp.split(hg, 3, axis=-1)
        r = jax.nn.sigmoid(xr + hr)
        z = jax.nn.sigmoid(xz + hz)
        nn_ = jnp.tanh(xn + r * hn)
        h_new = (1.0 - z) * nn_ + z * h
        return h_new, h_new

    h0 = jnp.zeros((Bn, Hn), dtype=emb_seq.dtype)
    _, hs = jax.lax.scan(step, h0, jnp.swapaxes(x_proj, 0, 1))
    return jnp.swapaxes(hs, 0, 1)


def reference(input_ids, emb, W_ih, W_hh, b_ih, b_hh, W_he, b_he, out_bias,
              w_read, b_read, w_write, b_write, w_decay, b_decay, mem_scale):
    embeddings = jnp.take(emb, input_ids, axis=0)          # [B, S, D]
    states = _gru(embeddings, W_ih, W_hh, b_ih, b_hh)      # [B, S, H] (dropout p=0 -> identity)
    proj = states @ W_he.T + b_he                          # [B, S, D]
    base_logits = proj @ emb.T + out_bias                  # [B, S, V]
    Bn, Sn, Vn = base_logits.shape
    batch_idx = jnp.arange(Bn)

    def step(mem, xs):
        s, bl, ids = xs                                    # [B,H], [B,V], [B]
        read = jax.nn.sigmoid(s @ w_read.T + b_read) * mem_scale  # [B, 1]
        out = bl + read * mem
        decay = jax.nn.sigmoid(s @ w_decay.T + b_decay)    # [B, 1]
        write = jax.nn.sigmoid(s @ w_write.T + b_write)    # [B, 1]
        mem = mem * decay
        mem = mem.at[batch_idx, ids].add(write[:, 0])      # scatter-add into memory
        return mem, out

    mem0 = jnp.zeros((Bn, Vn), dtype=base_logits.dtype)
    xs = (jnp.swapaxes(states, 0, 1), jnp.swapaxes(base_logits, 0, 1), jnp.swapaxes(input_ids, 0, 1))
    _, outs = jax.lax.scan(step, mem0, xs)
    return jnp.swapaxes(outs, 0, 1)                        # [B, S, V]

if __name__ == "__main__":
    import jax
    _d = setup_inputs()
    print(jax.jit(kernel)(*tuple(_d.values())))

</pallas_src>

<mosaic_0001>
#map = affine_map<(d0, d1) -> (0, 0)>
#map1 = affine_map<(d0, d1) -> (0)>
module attributes {stable_mosaic.version = 14 : i64} {
  func.func @sc_gather(%arg0: i32, %arg1: i32, %arg2: memref<100000x64xf32, #tpu.memory_space<hbm>>, %arg3: memref<256xi32, #tpu.memory_space<hbm>>, %arg4: memref<256x64xf32, #tpu.memory_space<hbm>>, %arg5: memref<8xi32, #tpu.memory_space<vmem>>, %arg6: memref<8x64xf32, #tpu.memory_space<vmem>>, %arg7: memref<!tpu.dma_semaphore, #tpu.memory_space<semaphore_mem>>) attributes {dimension_semantics = [#tpu.dimension_semantics<core_parallel>, #tpu.dimension_semantics<subcore_parallel>], iteration_bounds = array<i64: 2, 16>, scalar_prefetch = 0 : i64, scratch_operands = 3 : i64, tpu.core_type = #tpu.core_type<sc_vector_subcore>, window_params = [{transform_indices = #map}, {transform_indices = #map1}, {transform_indices = #map}]} {
    %mul3A = arith.constant 2 : i32
    %mul3A_0 = arith.muli %arg1, %mul3A : i32
    %add3A = arith.addi %mul3A_0, %arg0 : i32
    %mul3A_1 = arith.constant 8 : i32
    %mul3A_2 = arith.muli %add3A, %mul3A_1 : i32
    "tpu.region"() ({
      %run_scoped3A = tpu.sem_alloc : memref<!tpu.dma_semaphore, #tpu.memory_space<semaphore_mem>>
      %dma_start3A_7 = tpu.memref_slice %arg3[%mul3A_2] : memref<256xi32, #tpu.memory_space<hbm>> -> memref<8xi32, #tpu.memory_space<hbm>>
      %dma_start3A_8 = tpu.memref_slice %arg3[%mul3A_2] : memref<256xi32, #tpu.memory_space<hbm>> -> memref<8xi32, #tpu.memory_space<hbm>>
      tpu.enqueue_dma source(%dma_start3A_8 : memref<8xi32, #tpu.memory_space<hbm>>) target(%arg5 : memref<8xi32, #tpu.memory_space<vmem>>) target_semaphore(%run_scoped3A : memref<!tpu.dma_semaphore, #tpu.memory_space<semaphore_mem>>)
      %dma_wait3A_9 = tpu.memref_slice %arg3[%mul3A_2] : memref<256xi32, #tpu.memory_space<hbm>> -> memref<8xi32, #tpu.memory_space<hbm>>
      %dma_wait3A_10 = tpu.memref_slice %arg3[%mul3A_2] : memref<256xi32, #tpu.memory_space<hbm>> -> memref<8xi32, #tpu.memory_space<hbm>>
      tpu.wait_dma2 semaphore(%run_scoped3A : memref<!tpu.dma_semaphore, #tpu.memory_space<semaphore_mem>>) src(%dma_wait3A_10 : memref<8xi32, #tpu.memory_space<hbm>>) dst(%arg5 : memref<8xi32, #tpu.memory_space<vmem>>)
      tpu.yield
    }) : () -> ()
    %dma_start3A = arith.constant 0 : i32
    %dma_start3A_3 = arith.constant 0 : i32
    %dma_start3A_4 = tpu.memref_slice %arg2[%dma_start3A, %dma_start3A_3] : memref<100000x64xf32, #tpu.memory_space<hbm>> -> memref<100000x64xf32, #tpu.memory_space<hbm>>
    tpu.enqueue_indirect_dma source(%dma_start3A_4 : memref<100000x64xf32, #tpu.memory_space<hbm>>) target(%arg6 : memref<8x64xf32, #tpu.memory_space<vmem>>) offsets(%arg5 : memref<8xi32, #tpu.memory_space<vmem>>) semaphore(%arg7 : memref<!tpu.dma_semaphore, #tpu.memory_space<semaphore_mem>>)
    %dma_wait3A = arith.constant 0 : i32
    %dma_wait3A_5 = arith.constant 0 : i32
    %dma_wait3A_6 = tpu.memref_slice %arg2[%dma_wait3A, %dma_wait3A_5] : memref<100000x64xf32, #tpu.memory_space<hbm>> -> memref<100000x64xf32, #tpu.memory_space<hbm>>
    tpu.wait_indirect_dma semaphore(%arg7 : memref<!tpu.dma_semaphore, #tpu.memory_space<semaphore_mem>>) src(%dma_wait3A_6 : memref<100000x64xf32, #tpu.memory_space<hbm>>) dst(%arg6 : memref<8x64xf32, #tpu.memory_space<vmem>>)
    "tpu.region"() ({
      %run_scoped3A = tpu.sem_alloc : memref<!tpu.dma_semaphore, #tpu.memory_space<semaphore_mem>>
      %dma_start3A_7 = arith.constant 0 : i32
      %dma_start3A_8 = tpu.memref_slice %arg4[%mul3A_2, %dma_start3A_7] : memref<256x64xf32, #tpu.memory_space<hbm>> -> memref<8x64xf32, #tpu.memory_space<hbm>>
      %dma_start3A_9 = arith.constant 0 : i32
      %dma_start3A_10 = tpu.memref_slice %arg4[%mul3A_2, %dma_start3A_9] : memref<256x64xf32, #tpu.memory_space<hbm>> -> memref<8x64xf32, #tpu.memory_space<hbm>>
      tpu.enqueue_dma source(%arg6 : memref<8x64xf32, #tpu.memory_space<vmem>>) target(%dma_start3A_10 : memref<8x64xf32, #tpu.memory_space<hbm>>) target_semaphore(%run_scoped3A : memref<!tpu.dma_semaphore, #tpu.memory_space<semaphore_mem>>)
      %dma_wait3A_11 = arith.constant 0 : i32
      %dma_wait3A_12 = tpu.memref_slice %arg4[%mul3A_2, %dma_wait3A_11] : memref<256x64xf32, #tpu.memory_space<hbm>> -> memref<8x64xf32, #tpu.memory_space<hbm>>
      %dma_wait3A_13 = arith.constant 0 : i32
      %dma_wait3A_14 = tpu.memref_slice %arg4[%mul3A_2, %dma_wait3A_13] : memref<256x64xf32, #tpu.memory_space<hbm>> -> memref<8x64xf32, #tpu.memory_space<hbm>>
      tpu.wait_dma2 semaphore(%run_scoped3A : memref<!tpu.dma_semaphore, #tpu.memory_space<semaphore_mem>>) src(%arg6 : memref<8x64xf32, #tpu.memory_space<vmem>>) dst(%dma_wait3A_14 : memref<8x64xf32, #tpu.memory_space<hbm>>)
      tpu.yield
    }) : () -> ()
    return
  }
}

#map = affine_map<(d0, d1) -> (0)>
#map1 = affine_map<(d0, d1) -> (0, 0, 0)>
module attributes {stable_mosaic.version = 14 : i64} {
  func.func @new_body(%arg0: i32, %arg1: i32, %arg2: memref<25600000xf32, #tpu.memory_space<hbm>>, %arg3: memref<32x2x128xi32, #tpu.memory_space<hbm>>, %arg4: memref<32x2x128xf32, #tpu.memory_space<hbm>>, %arg5: memref<25600000xf32, #tpu.memory_space<hbm>>, %arg6: memref<128xi32, #tpu.memory_space<vmem>>, %arg7: memref<128xf32, #tpu.memory_space<vmem>>, %arg8: memref<128xf32, #tpu.memory_space<vmem>>, %arg9: memref<!tpu.dma_semaphore, #tpu.memory_space<semaphore_mem>>) attributes {dimension_semantics = [#tpu.dimension_semantics<core_parallel>, #tpu.dimension_semantics<subcore_parallel>], iteration_bounds = array<i64: 2, 16>, scalar_prefetch = 0 : i64, scratch_operands = 4 : i64, tpu.core_type = #tpu.core_type<sc_vector_subcore>, window_params = [{transform_indices = #map}, {transform_indices = #map1}, {transform_indices = #map1}, {transform_indices = #map}]} {
    %mul3A = arith.constant 2 : i32
    %mul3A_0 = arith.muli %arg1, %mul3A : i32
    %add3A = arith.addi %mul3A_0, %arg0 : i32
    %run_scoped3A = arith.constant 0 : i32
    "tpu.region"() ({
      %run_scoped3A_192 = tpu.sem_alloc : memref<!tpu.dma_semaphore, #tpu.memory_space<semaphore_mem>>
      %dma_start3A_193 = arith.constant 0 : i32
      %dma_start3A_194 = tpu.memref_slice %arg3[%add3A, %run_scoped3A, %dma_start3A_193] : memref<32x2x128xi32, #tpu.memory_space<hbm>> -> memref<1x1x128xi32, #tpu.memory_space<hbm>>
      %dma_start3A_195 = tpu.memref_squeeze %dma_start3A_194 : memref<1x1x128xi32, #tpu.memory_space<hbm>> -> memref<128xi32, #tpu.memory_space<hbm>>
      %dma_start3A_196 = arith.constant 0 : i32
      %dma_start3A_197 = tpu.memref_slice %arg3[%add3A, %run_scoped3A, %dma_start3A_196] : memref<32x2x128xi32, #tpu.memory_space<hbm>> -> memref<1x1x128xi32, #tpu.memory_space<hbm>>
      %dma_start3A_198 = tpu.memref_squeeze %dma_start3A_197 : memref<1x1x128xi32, #tpu.memory_space<hbm>> -> memref<128xi32, #tpu.memory_space<hbm>>
      tpu.enqueue_dma source(%dma_start3A_198 : memref<128xi32, #tpu.memory_space<hbm>>) target(%arg6 : memref<128xi32, #tpu.memory_space<vmem>>) target_semaphore(%run_scoped3A_192 : memref<!tpu.dma_semaphore, #tpu.memory_space<semaphore_mem>>)
      %dma_wait3A_199 = arith.constant 0 : i32
      %dma_wait3A_200 = tpu.memref_slice %arg3[%add3A, %run_scoped3A, %dma_wait3A_199] : memref<32x2x128xi32, #tpu.memory_space<hbm>> -> memref<1x1x128xi32, #tpu.memory_space<hbm>>
      %dma_wait3A_201 = tpu.memref_squeeze %dma_wait3A_200 : memref<1x1x128xi32, #tpu.memory_space<hbm>> -> memref<128xi32, #tpu.memory_space<hbm>>
      %dma_wait3A_202 = arith.constant 0 : i32
      %dma_wait3A_203 = tpu.memref_slice %arg3[%add3A, %run_scoped3A, %dma_wait3A_202] : memref<32x2x128xi32, #tpu.memory_space<hbm>> -> memref<1x1x128xi32, #tpu.memory_space<hbm>>
      %dma_wait3A_204 = tpu.memref_squeeze %dma_wait3A_203 : memref<1x1x128xi32, #tpu.memory_space<hbm>> -> memref<128xi32, #tpu.memory_space<hbm>>
      tpu.wait_dma2 semaphore(%run_scoped3A_192 : memref<!tpu.dma_semaphore, #tpu.memory_space<semaphore_mem>>) src(%dma_wait3A_204 : memref<128xi32, #tpu.memory_space<hbm>>) dst(%arg6 : memref<128xi32, #tpu.memory_space<vmem>>)
      tpu.yield
    }) : () -> ()
    %run_scoped3A_1 = arith.constant 0 : i32
    "tpu.region"() ({
      %run_scoped3A_192 = tpu.sem_alloc : memref<!tpu.dma_semaphore, #tpu.memory_space<semaphore_mem>>
      %dma_start3A_193 = arith.constant 0 : i32
      %dma_start3A_194 = tpu.memref_slice %arg4[%add3A, %run_scoped3A_1, %dma_start3A_193] : memref<32x2x128xf32, #tpu.memory_space<hbm>> -> memref<1x1x128xf32, #tpu.memory_space<hbm>>
      %dma_start3A_195 = tpu.memref_squeeze %dma_start3A_194 : memref<1x1x128xf32, #tpu.memory_space<hbm>> -> memref<128xf32, #tpu.memory_space<hbm>>
      %dma_start3A_196 = arith.constant 0 : i32
      %dma_start3A_197 = tpu.memref_slice %arg4[%add3A, %run_scoped3A_1, %dma_start3A_196] : memref<32x2x128xf32, #tpu.memory_space<hbm>> -> memref<1x1x128xf32, #tpu.memory_space<hbm>>
      %dma_start3A_198 = tpu.memref_squeeze %dma_start3A_197 : memref<1x1x128xf32, #tpu.memory_space<hbm>> -> memref<128xf32, #tpu.memory_space<hbm>>
      tpu.enqueue_dma source(%dma_start3A_198 : memref<128xf32, #tpu.memory_space<hbm>>) target(%arg8 : memref<128xf32, #tpu.memory_space<vmem>>) target_semaphore(%run_scoped3A_192 : memref<!tpu.dma_semaphore, #tpu.memory_space<semaphore_mem>>)
      %dma_wait3A_199 = arith.constant 0 : i32
      %dma_wait3A_200 = tpu.memref_slice %arg4[%add3A, %run_scoped3A_1, %dma_wait3A_199] : memref<32x2x128xf32, #tpu.memory_space<hbm>> -> memref<1x1x128xf32, #tpu.memory_space<hbm>>
      %dma_wait3A_201 = tpu.memref_squeeze %dma_wait3A_200 : memref<1x1x128xf32, #tpu.memory_space<hbm>> -> memref<128xf32, #tpu.memory_space<hbm>>
      %dma_wait3A_202 = arith.constant 0 : i32
      %dma_wait3A_203 = tpu.memref_slice %arg4[%add3A, %run_scoped3A_1, %dma_wait3A_202] : memref<32x2x128xf32, #tpu.memory_space<hbm>> -> memref<1x1x128xf32, #tpu.memory_space<hbm>>
      %dma_wait3A_204 = tpu.memref_squeeze %dma_wait3A_203 : memref<1x1x128xf32, #tpu.memory_space<hbm>> -> memref<128xf32, #tpu.memory_space<hbm>>
      tpu.wait_dma2 semaphore(%run_scoped3A_192 : memref<!tpu.dma_semaphore, #tpu.memory_space<semaphore_mem>>) src(%dma_wait3A_204 : memref<128xf32, #tpu.memory_space<hbm>>) dst(%arg8 : memref<128xf32, #tpu.memory_space<vmem>>)
      tpu.yield
    }) : () -> ()
    %dma_start3A = arith.constant 0 : i32
    %dma_start3A_2 = tpu.memref_slice %arg2[%dma_start3A] : memref<25600000xf32, #tpu.memory_space<hbm>> -> memref<25600000xf32, #tpu.memory_space<hbm>>
    tpu.enqueue_indirect_dma source(%dma_start3A_2 : memref<25600000xf32, #tpu.memory_space<hbm>>) target(%arg7 : memref<128xf32, #tpu.memory_space<vmem>>) offsets(%arg6 : memref<128xi32, #tpu.memory_space<vmem>>) semaphore(%arg9 : memref<!tpu.dma_semaphore, #tpu.memory_space<semaphore_mem>>)
    %dma_wait3A = arith.constant 0 : i32
    %dma_wait3A_3 = tpu.memref_slice %arg2[%dma_wait3A] : memref<25600000xf32, #tpu.memory_space<hbm>> -> memref<25600000xf32, #tpu.memory_space<hbm>>
    tpu.wait_indirect_dma semaphore(%arg9 : memref<!tpu.dma_semaphore, #tpu.memory_space<semaphore_mem>>) src(%dma_wait3A_3 : memref<25600000xf32, #tpu.memory_space<hbm>>) dst(%arg7 : memref<128xf32, #tpu.memory_space<vmem>>)
    %get3A = arith.constant 0 : index
    %get3A_4 = tpu.vector_load %arg7[%get3A] {strides = array<i32>} : memref<128xf32, #tpu.memory_space<vmem>>, vector<16xf32>,
    %get3A_5 = vector.shape_cast %get3A_4 : vector<16xf32> to vector<16xf32>
    %get3A_6 = arith.constant 0 : index
    %get3A_7 = tpu.vector_load %arg8[%get3A_6] {strides = array<i32>} : memref<128xf32, #tpu.memory_space<vmem>>, vector<16xf32>,
    %get3A_8 = vector.shape_cast %get3A_7 : vector<16xf32> to vector<16xf32>
    %add3A_9 = arith.addf %get3A_5, %get3A_8 : vector<16xf32>
    %swap3A = arith.constant 0 : index
    %swap3A_10 = tpu.vector_load %arg7[%swap3A] {strides = array<i32>} : memref<128xf32, #tpu.memory_space<vmem>>, vector<16xf32>,
    %swap3A_11 = vector.shape_cast %swap3A_10 : vector<16xf32> to vector<16xf32>
    %swap3A_12 = vector.shape_cast %add3A_9 : vector<16xf32> to vector<16xf32>
    tpu.vector_store %arg7[%swap3A], %swap3A_12 {strides = array<i32>} : memref<128xf32, #tpu.memory_space<vmem>>, vector<16xf32>,
    %get3A_13 = arith.constant 16 : index
    %get3A_14 = tpu.vector_load %arg7[%get3A_13] {strides = array<i32>} : memref<128xf32, #tpu.memory_space<vmem>>, vector<16xf32>,
    %get3A_15 = vector.shape_cast %get3A_14 : vector<16xf32> to vector<16xf32>
    %get3A_16 = arith.constant 16 : index
    %get3A_17 = tpu.vector_load %arg8[%get3A_16] {strides = array<i32>} : memref<128xf32, #tpu.memory_space<vmem>>, vector<16xf32>,
    %get3A_18 = vector.shape_cast %get3A_17 : vector<16xf32> to vector<16xf32>
    %add3A_19 = arith.addf %get3A_15, %get3A_18 : vector<16xf32>
    %swap3A_20 = arith.constant 16 : index
    %swap3A_21 = tpu.vector_load %arg7[%swap3A_20] {strides = array<i32>} : memref<128xf32, #tpu.memory_space<vmem>>, vector<16xf32>,
    %swap3A_22 = vector.shape_cast %swap3A_21 : vector<16xf32> to vector<16xf32>
    %swap3A_23 = vector.shape_cast %add3A_19 : vector<16xf32> to vector<16xf32>
    tpu.vector_store %arg7[%swap3A_20], %swap3A_23 {strides = array<i32>} : memref<128xf32, #tpu.memory_space<vmem>>, vector<16xf32>,
    %get3A_24 = arith.constant 32 : index
    %get3A_25 = tpu.vector_load %arg7[%get3A_24] {strides = array<i32>} : memref<128xf32, #tpu.memory_space<vmem>>, vector<16xf32>,
    %get3A_26 = vector.shape_cast %get3A_25 : vector<16xf32> to vector<16xf32>
    %get3A_27 = arith.constant 32 : index
    %get3A_28 = tpu.vector_load %arg8[%get3A_27] {strides = array<i32>} : memref<128xf32, #tpu.memory_space<vmem>>, vector<16xf32>,
    %get3A_29 = vector.shape_cast %get3A_28 : vector<16xf32> to vector<16xf32>
    %add3A_30 = arith.addf %get3A_26, %get3A_29 : vector<16xf32>
    %swap3A_31 = arith.constant 32 : index
    %swap3A_32 = tpu.vector_load %arg7[%swap3A_31] {strides = array<i32>} : memref<128xf32, #tpu.memory_space<vmem>>, vector<16xf32>,
    %swap3A_33 = vector.shape_cast %swap3A_32 : vector<16xf32> to vector<16xf32>
    %swap3A_34 = vector.shape_cast %add3A_30 : vector<16xf32> to vector<16xf32>
    tpu.vector_store %arg7[%swap3A_31], %swap3A_34 {strides = array<i32>} : memref<128xf32, #tpu.memory_space<vmem>>, vector<16xf32>,
    %get3A_35 = arith.constant 48 : index
    %get3A_36 = tpu.vector_load %arg7[%get3A_35] {strides = array<i32>} : memref<128xf32, #tpu.memory_space<vmem>>, vector<16xf32>,
    %get3A_37 = vector.shape_cast %get3A_36 : vector<16xf32> to vector<16xf32>
    %get3A_38 = arith.constant 48 : index
    %get3A_39 = tpu.vector_load %arg8[%get3A_38] {strides = array<i32>} : memref<128xf32, #tpu.memory_space<vmem>>, vector<16xf32>,
    %get3A_40 = vector.shape_cast %get3A_39 : vector<16xf32> to vector<16xf32>
    %add3A_41 = arith.addf %get3A_37, %get3A_40 : vector<16xf32>
    %swap3A_42 = arith.constant 48 : index
    %swap3A_43 = tpu.vector_load %arg7[%swap3A_42] {strides = array<i32>} : memref<128xf32, #tpu.memory_space<vmem>>, vector<16xf32>,
    %swap3A_44 = vector.shape_cast %swap3A_43 : vector<16xf32> to vector<16xf32>
    %swap3A_45 = vector.shape_cast %add3A_41 : vector<16xf32> to vector<16xf32>
    tpu.vector_store %arg7[%swap3A_42], %swap3A_45 {strides = array<i32>} : memref<128xf32, #tpu.memory_space<vmem>>, vector<16xf32>,
    %get3A_46 = arith.constant 64 : index
    %get3A_47 = tpu.vector_load %arg7[%get3A_46] {strides = array<i32>} : memref<128xf32, #tpu.memory_space<vmem>>, vector<16xf32>,
    %get3A_48 = vector.shape_cast %get3A_47 : vector<16xf32> to vector<16xf32>
    %get3A_49 = arith.constant 64 : index
    %get3A_50 = tpu.vector_load %arg8[%get3A_49] {strides = array<i32>} : memref<128xf32, #tpu.memory_space<vmem>>, vector<16xf32>,
    %get3A_51 = vector.shape_cast %get3A_50 : vector<16xf32> to vector<16xf32>
    %add3A_52 = arith.addf %get3A_48, %get3A_51 : vector<16xf32>
    %swap3A_53 = arith.constant 64 : index
    %swap3A_54 = tpu.vector_load %arg7[%swap3A_53] {strides = array<i32>} : memref<128xf32, #tpu.memory_space<vmem>>, vector<16xf32>,
    %swap3A_55 = vector.shape_cast %swap3A_54 : vector<16xf32> to vector<16xf32>
    %swap3A_56 = vector.shape_cast %add3A_52 : vector<16xf32> to vector<16xf32>
    tpu.vector_store %arg7[%swap3A_53], %swap3A_56 {strides = array<i32>} : memref<128xf32, #tpu.memory_space<vmem>>, vector<16xf32>,
    %get3A_57 = arith.constant 80 : index
    %get3A_58 = tpu.vector_load %arg7[%get3A_57] {strides = array<i32>} : memref<128xf32, #tpu.memory_space<vmem>>, vector<16xf32>,
    %get3A_59 = vector.shape_cast %get3A_58 : vector<16xf32> to vector<16xf32>
    %get3A_60 = arith.constant 80 : index
    %get3A_61 = tpu.vector_load %arg8[%get3A_60] {strides = array<i32>} : memref<128xf32, #tpu.memory_space<vmem>>, vector<16xf32>,
    %get3A_62 = vector.shape_cast %get3A_61 : vector<16xf32> to vector<16xf32>
    %add3A_63 = arith.addf %get3A_59, %get3A_62 : vector<16xf32>
    %swap3A_64 = arith.constant 80 : index
    %swap3A_65 = tpu.vector_load %arg7[%swap3A_64] {strides = array<i32>} : memref<128xf32, #tpu.memory_space<vmem>>, vector<16xf32>,
    %swap3A_66 = vector.shape_cast %swap3A_65 : vector<16xf32> to vector<16xf32>
    %swap3A_67 = vector.shape_cast %add3A_63 : vector<16xf32> to vector<16xf32>
    tpu.vector_store %arg7[%swap3A_64], %swap3A_67 {strides = array<i32>} : memref<128xf32, #tpu.memory_space<vmem>>, vector<16xf32>,
    %get3A_68 = arith.constant 96 : index
    %get3A_69 = tpu.vector_load %arg7[%get3A_68] {strides = array<i32>} : memref<128xf32, #tpu.memory_space<vmem>>, vector<16xf32>,
    %get3A_70 = vector.shape_cast %get3A_69 : vector<16xf32> to vector<16xf32>
    %get3A_71 = arith.constant 96 : index
    %get3A_72 = tpu.vector_load %arg8[%get3A_71] {strides = array<i32>} : memref<128xf32, #tpu.memory_space<vmem>>, vector<16xf32>,
    %get3A_73 = vector.shape_cast %get3A_72 : vector<16xf32> to vector<16xf32>
    %add3A_74 = arith.addf %get3A_70, %get3A_73 : vector<16xf32>
    %swap3A_75 = arith.constant 96 : index
    %swap3A_76 = tpu.vector_load %arg7[%swap3A_75] {strides = array<i32>} : memref<128xf32, #tpu.memory_space<vmem>>, vector<16xf32>,
    %swap3A_77 = vector.shape_cast %swap3A_76 : vector<16xf32> to vector<16xf32>
    %swap3A_78 = vector.shape_cast %add3A_74 : vector<16xf32> to vector<16xf32>
    tpu.vector_store %arg7[%swap3A_75], %swap3A_78 {strides = array<i32>} : memref<128xf32, #tpu.memory_space<vmem>>, vector<16xf32>,
    %get3A_79 = arith.constant 112 : index
    %get3A_80 = tpu.vector_load %arg7[%get3A_79] {strides = array<i32>} : memref<128xf32, #tpu.memory_space<vmem>>, vector<16xf32>,
    %get3A_81 = vector.shape_cast %get3A_80 : vector<16xf32> to vector<16xf32>
    %get3A_82 = arith.constant 112 : index
    %get3A_83 = tpu.vector_load %arg8[%get3A_82] {strides = array<i32>} : memref<128xf32, #tpu.memory_space<vmem>>, vector<16xf32>,
    %get3A_84 = vector.shape_cast %get3A_83 : vector<16xf32> to vector<16xf32>
    %add3A_85 = arith.addf %get3A_81, %get3A_84 : vector<16xf32>
    %swap3A_86 = arith.constant 112 : index
    %swap3A_87 = tpu.vector_load %arg7[%swap3A_86] {strides = array<i32>} : memref<128xf32, #tpu.memory_space<vmem>>, vector<16xf32>,
    %swap3A_88 = vector.shape_cast %swap3A_87 : vector<16xf32> to vector<16xf32>
    %swap3A_89 = vector.shape_cast %add3A_85 : vector<16xf32> to vector<16xf32>
    tpu.vector_store %arg7[%swap3A_86], %swap3A_89 {strides = array<i32>} : memref<128xf32, #tpu.memory_space<vmem>>, vector<16xf32>,
    %dma_start3A_90 = arith.constant 0 : i32
    %dma_start3A_91 = tpu.memref_slice %arg2[%dma_start3A_90] : memref<25600000xf32, #tpu.memory_space<hbm>> -> memref<25600000xf32, #tpu.memory_space<hbm>>
    tpu.enqueue_indirect_dma source(%arg7 : memref<128xf32, #tpu.memory_space<vmem>>) target(%dma_start3A_91 : memref<25600000xf32, #tpu.memory_space<hbm>>) offsets(%arg6 : memref<128xi32, #tpu.memory_space<vmem>>) semaphore(%arg9 : memref<!tpu.dma_semaphore, #tpu.memory_space<semaphore_mem>>)
    %dma_wait3A_92 = arith.constant 0 : i32
    %dma_wait3A_93 = tpu.memref_slice %arg2[%dma_wait3A_92] : memref<25600000xf32, #tpu.memory_space<hbm>> -> memref<25600000xf32, #tpu.memory_space<hbm>>
    tpu.wait_indirect_dma semaphore(%arg9 : memref<!tpu.dma_semaphore, #tpu.memory_space<semaphore_mem>>) src(%arg7 : memref<128xf32, #tpu.memory_space<vmem>>) dst(%dma_wait3A_93 : memref<25600000xf32, #tpu.memory_space<hbm>>)
    %run_scoped3A_94 = arith.constant 1 : i32
    "tpu.region"() ({
      %run_scoped3A_192 = tpu.sem_alloc : memref<!tpu.dma_semaphore, #tpu.memory_space<semaphore_mem>>
      %dma_start3A_193 = arith.constant 0 : i32
      %dma_start3A_194 = tpu.memref_slice %arg3[%add3A, %run_scoped3A_94, %dma_start3A_193] : memref<32x2x128xi32, #tpu.memory_space<hbm>> -> memref<1x1x128xi32, #tpu.memory_space<hbm>>
      %dma_start3A_195 = tpu.memref_squeeze %dma_start3A_194 : memref<1x1x128xi32, #tpu.memory_space<hbm>> -> memref<128xi32, #tpu.memory_space<hbm>>
      %dma_start3A_196 = arith.constant 0 : i32
      %dma_start3A_197 = tpu.memref_slice %arg3[%add3A, %run_scoped3A_94, %dma_start3A_196] : memref<32x2x128xi32, #tpu.memory_space<hbm>> -> memref<1x1x128xi32, #tpu.memory_space<hbm>>
      %dma_start3A_198 = tpu.memref_squeeze %dma_start3A_197 : memref<1x1x128xi32, #tpu.memory_space<hbm>> -> memref<128xi32, #tpu.memory_space<hbm>>
      tpu.enqueue_dma source(%dma_start3A_198 : memref<128xi32, #tpu.memory_space<hbm>>) target(%arg6 : memref<128xi32, #tpu.memory_space<vmem>>) target_semaphore(%run_scoped3A_192 : memref<!tpu.dma_semaphore, #tpu.memory_space<semaphore_mem>>)
      %dma_wait3A_199 = arith.constant 0 : i32
      %dma_wait3A_200 = tpu.memref_slice %arg3[%add3A, %run_scoped3A_94, %dma_wait3A_199] : memref<32x2x128xi32, #tpu.memory_space<hbm>> -> memref<1x1x128xi32, #tpu.memory_space<hbm>>
      %dma_wait3A_201 = tpu.memref_squeeze %dma_wait3A_200 : memref<1x1x128xi32, #tpu.memory_space<hbm>> -> memref<128xi32, #tpu.memory_space<hbm>>
      %dma_wait3A_202 = arith.constant 0 : i32
      %dma_wait3A_203 = tpu.memref_slice %arg3[%add3A, %run_scoped3A_94, %dma_wait3A_202] : memref<32x2x128xi32, #tpu.memory_space<hbm>> -> memref<1x1x128xi32, #tpu.memory_space<hbm>>
      %dma_wait3A_204 = tpu.memref_squeeze %dma_wait3A_203 : memref<1x1x128xi32, #tpu.memory_space<hbm>> -> memref<128xi32, #tpu.memory_space<hbm>>
      tpu.wait_dma2 semaphore(%run_scoped3A_192 : memref<!tpu.dma_semaphore, #tpu.memory_space<semaphore_mem>>) src(%dma_wait3A_204 : memref<128xi32, #tpu.memory_space<hbm>>) dst(%arg6 : memref<128xi32, #tpu.memory_space<vmem>>)
      tpu.yield
    }) : () -> ()
    %run_scoped3A_95 = arith.constant 1 : i32
    "tpu.region"() ({
      %run_scoped3A_192 = tpu.sem_alloc : memref<!tpu.dma_semaphore, #tpu.memory_space<semaphore_mem>>
      %dma_start3A_193 = arith.constant 0 : i32
      %dma_start3A_194 = tpu.memref_slice %arg4[%add3A, %run_scoped3A_95, %dma_start3A_193] : memref<32x2x128xf32, #tpu.memory_space<hbm>> -> memref<1x1x128xf32, #tpu.memory_space<hbm>>
      %dma_start3A_195 = tpu.memref_squeeze %dma_start3A_194 : memref<1x1x128xf32, #tpu.memory_space<hbm>> -> memref<128xf32, #tpu.memory_space<hbm>>
      %dma_start3A_196 = arith.constant 0 : i32
      %dma_start3A_197 = tpu.memref_slice %arg4[%add3A, %run_scoped3A_95, %dma_start3A_196] : memref<32x2x128xf32, #tpu.memory_space<hbm>> -> memref<1x1x128xf32, #tpu.memory_space<hbm>>
      %dma_start3A_198 = tpu.memref_squeeze %dma_start3A_197 : memref<1x1x128xf32, #tpu.memory_space<hbm>> -> memref<128xf32, #tpu.memory_space<hbm>>
      tpu.enqueue_dma source(%dma_start3A_198 : memref<128xf32, #tpu.memory_space<hbm>>) target(%arg8 : memref<128xf32, #tpu.memory_space<vmem>>) target_semaphore(%run_scoped3A_192 : memref<!tpu.dma_semaphore, #tpu.memory_space<semaphore_mem>>)
      %dma_wait3A_199 = arith.constant 0 : i32
      %dma_wait3A_200 = tpu.memref_slice %arg4[%add3A, %run_scoped3A_95, %dma_wait3A_199] : memref<32x2x128xf32, #tpu.memory_space<hbm>> -> memref<1x1x128xf32, #tpu.memory_space<hbm>>
      %dma_wait3A_201 = tpu.memref_squeeze %dma_wait3A_200 : memref<1x1x128xf32, #tpu.memory_space<hbm>> -> memref<128xf32, #tpu.memory_space<hbm>>
      %dma_wait3A_202 = arith.constant 0 : i32
      %dma_wait3A_203 = tpu.memref_slice %arg4[%add3A, %run_scoped3A_95, %dma_wait3A_202] : memref<32x2x128xf32, #tpu.memory_space<hbm>> -> memref<1x1x128xf32, #tpu.memory_space<hbm>>
      %dma_wait3A_204 = tpu.memref_squeeze %dma_wait3A_203 : memref<1x1x128xf32, #tpu.memory_space<hbm>> -> memref<128xf32, #tpu.memory_space<hbm>>
      tpu.wait_dma2 semaphore(%run_scoped3A_192 : memref<!tpu.dma_semaphore, #tpu.memory_space<semaphore_mem>>) src(%dma_wait3A_204 : memref<128xf32, #tpu.memory_space<hbm>>) dst(%arg8 : memref<128xf32, #tpu.memory_space<vmem>>)
      tpu.yield
    }) : () -> ()
    %dma_start3A_96 = arith.constant 0 : i32
    %dma_start3A_97 = tpu.memref_slice %arg2[%dma_start3A_96] : memref<25600000xf32, #tpu.memory_space<hbm>> -> memref<25600000xf32, #tpu.memory_space<hbm>>
    tpu.enqueue_indirect_dma source(%dma_start3A_97 : memref<25600000xf32, #tpu.memory_space<hbm>>) target(%arg7 : memref<128xf32, #tpu.memory_space<vmem>>) offsets(%arg6 : memref<128xi32, #tpu.memory_space<vmem>>) semaphore(%arg9 : memref<!tpu.dma_semaphore, #tpu.memory_space<semaphore_mem>>)
    %dma_wait3A_98 = arith.constant 0 : i32
    %dma_wait3A_99 = tpu.memref_slice %arg2[%dma_wait3A_98] : memref<25600000xf32, #tpu.memory_space<hbm>> -> memref<25600000xf32, #tpu.memory_space<hbm>>
    tpu.wait_indirect_dma semaphore(%arg9 : memref<!tpu.dma_semaphore, #tpu.memory_space<semaphore_mem>>) src(%dma_wait3A_99 : memref<25600000xf32, #tpu.memory_space<hbm>>) dst(%arg7 : memref<128xf32, #tpu.memory_space<vmem>>)
    %get3A_100 = arith.constant 0 : index
    %get3A_101 = tpu.vector_load %arg7[%get3A_100] {strides = array<i32>} : memref<128xf32, #tpu.memory_space<vmem>>, vector<16xf32>,
    %get3A_102 = vector.shape_cast %get3A_101 : vector<16xf32> to vector<16xf32>
    %get3A_103 = arith.constant 0 : index
    %get3A_104 = tpu.vector_load %arg8[%get3A_103] {strides = array<i32>} : memref<128xf32, #tpu.memory_space<vmem>>, vector<16xf32>,
    %get3A_105 = vector.shape_cast %get3A_104 : vector<16xf32> to vector<16xf32>
    %add3A_106 = arith.addf %get3A_102, %get3A_105 : vector<16xf32>
    %swap3A_107 = arith.constant 0 : index
    %swap3A_108 = tpu.vector_load %arg7[%swap3A_107] {strides = array<i32>} : memref<128xf32, #tpu.memory_space<vmem>>, vector<16xf32>,
    %swap3A_109 = vector.shape_cast %swap3A_108 : vector<16xf32> to vector<16xf32>
    %swap3A_110 = vector.shape_cast %add3A_106 : vector<16xf32> to vector<16xf32>
    tpu.vector_store %arg7[%swap3A_107], %swap3A_110 {strides = array<i32>} : memref<128xf32, #tpu.memory_space<vmem>>, vector<16xf32>,
    %get3A_111 = arith.constant 16 : index
    %get3A_112 = tpu.vector_load %arg7[%get3A_111] {strides = array<i32>} : memref<128xf32, #tpu.memory_space<vmem>>, vector<16xf32>,
    %get3A_113 = vector.shape_cast %get3A_112 : vector<16xf32> to vector<16xf32>
    %get3A_114 = arith.constant 16 : index
    %get3A_115 = tpu.vector_load %arg8[%get3A_114] {strides = array<i32>} : memref<128xf32, #tpu.memory_space<vmem>>, vector<16xf32>,
    %get3A_116 = vector.shape_cast %get3A_115 : vector<16xf32> to vector<16xf32>
    %add3A_117 = arith.addf %get3A_113, %get3A_116 : vector<16xf32>
    %swap3A_118 = arith.constant 16 : index
    %swap3A_119 = tpu.vector_load %arg7[%swap3A_118] {strides = array<i32>} : memref<128xf32, #tpu.memory_space<vmem>>, vector<16xf32>,
    %swap3A_120 = vector.shape_cast %swap3A_119 : vector<16xf32> to vector<16xf32>
    %swap3A_121 = vector.shape_cast %add3A_117 : vector<16xf32> to vector<16xf32>
    tpu.vector_store %arg7[%swap3A_118], %swap3A_121 {strides = array<i32>} : memref<128xf32, #tpu.memory_space<vmem>>, vector<16xf32>,
    %get3A_122 = arith.constant 32 : index
    %get3A_123 = tpu.vector_load %arg7[%get3A_122] {strides = array<i32>} : memref<128xf32, #tpu.memory_space<vmem>>, vector<16xf32>,
    %get3A_124 = vector.shape_cast %get3A_123 : vector<16xf32> to vector<16xf32>
    %get3A_125 = arith.constant 32 : index
    %get3A_126 = tpu.vector_load %arg8[%get3A_125] {strides = array<i32>} : memref<128xf32, #tpu.memory_space<vmem>>, vector<16xf32>,
    %get3A_127 = vector.shape_cast %get3A_126 : vector<16xf32> to vector<16xf32>
    %add3A_128 = arith.addf %get3A_124, %get3A_127 : vector<16xf32>
    %swap3A_129 = arith.constant 32 : index
    %swap3A_130 = tpu.vector_load %arg7[%swap3A_129] {strides = array<i32>} : memref<128xf32, #tpu.memory_space<vmem>>, vector<16xf32>,
    %swap3A_131 = vector.shape_cast %swap3A_130 : vector<16xf32> to vector<16xf32>
    %swap3A_132 = vector.shape_cast %add3A_128 : vector<16xf32> to vector<16xf32>
    tpu.vector_store %arg7[%swap3A_129], %swap3A_132 {strides = array<i32>} : memref<128xf32, #tpu.memory_space<vmem>>, vector<16xf32>,
    %get3A_133 = arith.constant 48 : index
    %get3A_134 = tpu.vector_load %arg7[%get3A_133] {strides = array<i32>} : memref<128xf32, #tpu.memory_space<vmem>>, vector<16xf32>,
    %get3A_135 = vector.shape_cast %get3A_134 : vector<16xf32> to vector<16xf32>
    %get3A_136 = arith.constant 48 : index
    %get3A_137 = tpu.vector_load %arg8[%get3A_136] {strides = array<i32>} : memref<128xf32, #tpu.memory_space<vmem>>, vector<16xf32>,
    %get3A_138 = vector.shape_cast %get3A_137 : vector<16xf32> to vector<16xf32>
    %add3A_139 = arith.addf %get3A_135, %get3A_138 : vector<16xf32>
    %swap3A_140 = arith.constant 48 : index
    %swap3A_141 = tpu.vector_load %arg7[%swap3A_140] {strides = array<i32>} : memref<128xf32, #tpu.memory_space<vmem>>, vector<16xf32>,
    %swap3A_142 = vector.shape_cast %swap3A_141 : vector<16xf32> to vector<16xf32>
    %swap3A_143 = vector.shape_cast %add3A_139 : vector<16xf32> to vector<16xf32>
    tpu.vector_store %arg7[%swap3A_140], %swap3A_143 {strides = array<i32>} : memref<128xf32, #tpu.memory_space<vmem>>, vector<16xf32>,
    %get3A_144 = arith.constant 64 : index
    %get3A_145 = tpu.vector_load %arg7[%get3A_144] {strides = array<i32>} : memref<128xf32, #tpu.memory_space<vmem>>, vector<16xf32>,
    %get3A_146 = vector.shape_cast %get3A_145 : vector<16xf32> to vector<16xf32>
    %get3A_147 = arith.constant 64 : index
    %get3A_148 = tpu.vector_load %arg8[%get3A_147] {strides = array<i32>} : memref<128xf32, #tpu.memory_space<vmem>>, vector<16xf32>,
    %get3A_149 = vector.shape_cast %get3A_148 : vector<16xf32> to vector<16xf32>
    %add3A_150 = arith.addf %get3A_146, %get3A_149 : vector<16xf32>
    %swap3A_151 = arith.constant 64 : index
    %swap3A_152 = tpu.vector_load %arg7[%swap3A_151] {strides = array<i32>} : memref<128xf32, #tpu.memory_space<vmem>>, vector<16xf32>,
    %swap3A_153 = vector.shape_cast %swap3A_152 : vector<16xf32> to vector<16xf32>
    %swap3A_154 = vector.shape_cast %add3A_150 : vector<16xf32> to vector<16xf32>
    tpu.vector_store %arg7[%swap3A_151], %swap3A_154 {strides = array<i32>} : memref<128xf32, #tpu.memory_space<vmem>>, vector<16xf32>,
    %get3A_155 = arith.constant 80 : index
    %get3A_156 = tpu.vector_load %arg7[%get3A_155] {strides = array<i32>} : memref<128xf32, #tpu.memory_space<vmem>>, vector<16xf32>,
    %get3A_157 = vector.shape_cast %get3A_156 : vector<16xf32> to vector<16xf32>
    %get3A_158 = arith.constant 80 : index
    %get3A_159 = tpu.vector_load %arg8[%get3A_158] {strides = array<i32>} : memref<128xf32, #tpu.memory_space<vmem>>, vector<16xf32>,
    %get3A_160 = vector.shape_cast %get3A_159 : vector<16xf32> to vector<16xf32>
    %add3A_161 = arith.addf %get3A_157, %get3A_160 : vector<16xf32>
    %swap3A_162 = arith.constant 80 : index
    %swap3A_163 = tpu.vector_load %arg7[%swap3A_162] {strides = array<i32>} : memref<128xf32, #tpu.memory_space<vmem>>, vector<16xf32>,
    %swap3A_164 = vector.shape_cast %swap3A_163 : vector<16xf32> to vector<16xf32>
    %swap3A_165 = vector.shape_cast %add3A_161 : vector<16xf32> to vector<16xf32>
    tpu.vector_store %arg7[%swap3A_162], %swap3A_165 {strides = array<i32>} : memref<128xf32, #tpu.memory_space<vmem>>, vector<16xf32>,
    %get3A_166 = arith.constant 96 : index
    %get3A_167 = tpu.vector_load %arg7[%get3A_166] {strides = array<i32>} : memref<128xf32, #tpu.memory_space<vmem>>, vector<16xf32>,
    %get3A_168 = vector.shape_cast %get3A_167 : vector<16xf32> to vector<16xf32>
    %get3A_169 = arith.constant 96 : index
    %get3A_170 = tpu.vector_load %arg8[%get3A_169] {strides = array<i32>} : memref<128xf32, #tpu.memory_space<vmem>>, vector<16xf32>,
    %get3A_171 = vector.shape_cast %get3A_170 : vector<16xf32> to vector<16xf32>
    %add3A_172 = arith.addf %get3A_168, %get3A_171 : vector<16xf32>
    %swap3A_173 = arith.constant 96 : index
    %swap3A_174 = tpu.vector_load %arg7[%swap3A_173] {strides = array<i32>} : memref<128xf32, #tpu.memory_space<vmem>>, vector<16xf32>,
    %swap3A_175 = vector.shape_cast %swap3A_174 : vector<16xf32> to vector<16xf32>
    %swap3A_176 = vector.shape_cast %add3A_172 : vector<16xf32> to vector<16xf32>
    tpu.vector_store %arg7[%swap3A_173], %swap3A_176 {strides = array<i32>} : memref<128xf32, #tpu.memory_space<vmem>>, vector<16xf32>,
    %get3A_177 = arith.constant 112 : index
    %get3A_178 = tpu.vector_load %arg7[%get3A_177] {strides = array<i32>} : memref<128xf32, #tpu.memory_space<vmem>>, vector<16xf32>,
    %get3A_179 = vector.shape_cast %get3A_178 : vector<16xf32> to vector<16xf32>
    %get3A_180 = arith.constant 112 : index
    %get3A_181 = tpu.vector_load %arg8[%get3A_180] {strides = array<i32>} : memref<128xf32, #tpu.memory_space<vmem>>, vector<16xf32>,
    %get3A_182 = vector.shape_cast %get3A_181 : vector<16xf32> to vector<16xf32>
    %add3A_183 = arith.addf %get3A_179, %get3A_182 : vector<16xf32>
    %swap3A_184 = arith.constant 112 : index
    %swap3A_185 = tpu.vector_load %arg7[%swap3A_184] {strides = array<i32>} : memref<128xf32, #tpu.memory_space<vmem>>, vector<16xf32>,
    %swap3A_186 = vector.shape_cast %swap3A_185 : vector<16xf32> to vector<16xf32>
    %swap3A_187 = vector.shape_cast %add3A_183 : vector<16xf32> to vector<16xf32>
    tpu.vector_store %arg7[%swap3A_184], %swap3A_187 {strides = array<i32>} : memref<128xf32, #tpu.memory_space<vmem>>, vector<16xf32>,
    %dma_start3A_188 = arith.constant 0 : i32
    %dma_start3A_189 = tpu.memref_slice %arg2[%dma_start3A_188] : memref<25600000xf32, #tpu.memory_space<hbm>> -> memref<25600000xf32, #tpu.memory_space<hbm>>
    tpu.enqueue_indirect_dma source(%arg7 : memref<128xf32, #tpu.memory_space<vmem>>) target(%dma_start3A_189 : memref<25600000xf32, #tpu.memory_space<hbm>>) offsets(%arg6 : memref<128xi32, #tpu.memory_space<vmem>>) semaphore(%arg9 : memref<!tpu.dma_semaphore, #tpu.memory_space<semaphore_mem>>)
    %dma_wait3A_190 = arith.constant 0 : i32
    %dma_wait3A_191 = tpu.memref_slice %arg2[%dma_wait3A_190] : memref<25600000xf32, #tpu.memory_space<hbm>> -> memref<25600000xf32, #tpu.memory_space<hbm>>
    tpu.wait_indirect_dma semaphore(%arg9 : memref<!tpu.dma_semaphore, #tpu.memory_space<semaphore_mem>>) src(%arg7 : memref<128xf32, #tpu.memory_space<vmem>>) dst(%dma_wait3A_191 : memref<25600000xf32, #tpu.memory_space<hbm>>)
    return
  }
}

module attributes {stable_mosaic.version = 14 : i64} {
  func.func @_coeffs_body(%arg0: memref<8x32xi32, #tpu.memory_space<vmem>>, %arg1: memref<8x32x1xi32, #tpu.memory_space<vmem>>, %arg2: memref<256x64xf32, #tpu.memory_space<vmem>>, %arg3: memref<384x64xf32, #tpu.memory_space<vmem>>, %arg4: memref<384x128xf32, #tpu.memory_space<vmem>>, %arg5: memref<1x384xf32, #tpu.memory_space<vmem>>, %arg6: memref<1x384xf32, #tpu.memory_space<vmem>>, %arg7: memref<64x128xf32, #tpu.memory_space<vmem>>, %arg8: memref<1x64xf32, #tpu.memory_space<vmem>>, %arg9: memref<3x128xf32, #tpu.memory_space<vmem>>, %arg10: memref<1x3xf32, #tpu.memory_space<smem>>, %arg11: memref<1x1xf32, #tpu.memory_space<smem>>, %arg12: memref<256x64xf32, #tpu.memory_space<vmem>>, %arg13: memref<8x32x32xf32, #tpu.memory_space<vmem>>, %arg14: memref<256x384xf32, #tpu.memory_space<vmem>>, %arg15: memref<8x32x128xf32, #tpu.memory_space<vmem>>) attributes {dimension_semantics = [], scalar_prefetch = 0 : i64, scratch_operands = 2 : i64, tpu.core_type = #tpu.core_type<tc>} {
    %get3A = arith.constant 0 : index
    %get3A_0 = arith.constant 0 : index
    %get3A_1 = vector.load %arg2[%get3A, %get3A_0] : memref<256x64xf32, #tpu.memory_space<vmem>>, vector<256x64xf32>
    %get3A_2 = arith.constant 0 : index
    %get3A_3 = arith.constant 0 : index
    %get3A_4 = vector.load %arg3[%get3A_2, %get3A_3] : memref<384x64xf32, #tpu.memory_space<vmem>>, vector<384x64xf32>
    %dot_general3A = arith.constant dense<0.000000e+00> : vector<256x384xf32>
    %dot_general3A_5 = tpu.matmul %get3A_1, %get3A_4, %dot_general3A {dimension_numbers = #tpu.dot_dimension_numbers<[1], [1], [0], [0], [0, 0, 1, 0], [], []>, transpose_lhs_hint = false} : vector<256x64xf32>, vector<384x64xf32>, vector<256x384xf32> -> vector<256x384xf32>
    %get3A_6 = arith.constant 0 : index
    %get3A_7 = arith.constant 0 : index
    %get3A_8 = vector.load %arg5[%get3A_6, %get3A_7] : memref<1x384xf32, #tpu.memory_space<vmem>>, vector<1x384xf32>
    %add3A = vector.broadcast %get3A_8 : vector<1x384xf32> to vector<256x384xf32>
    %add3A_9 = arith.addf %dot_general3A_5, %add3A : vector<256x384xf32>
    %swap3A = arith.constant 0 : index
    %swap3A_10 = arith.constant 0 : index
    %swap3A_11 = vector.load %arg14[%swap3A, %swap3A_10] : memref<256x384xf32, #tpu.memory_space<vmem>>, vector<256x384xf32>
    tpu.vector_store %arg14[%swap3A, %swap3A_10], %add3A_9 {strides = array<i32>} : memref<256x384xf32, #tpu.memory_space<vmem>>, vector<256x384xf32>,
    %get3A_12 = arith.constant 0 : index
    %get3A_13 = arith.constant 0 : index
    %get3A_14 = vector.load %arg4[%get3A_12, %get3A_13] : memref<384x128xf32, #tpu.memory_space<vmem>>, vector<384x128xf32>
    %get3A_15 = arith.constant 0 : index
    %get3A_16 = arith.constant 0 : index
    %get3A_17 = vector.load %arg6[%get3A_15, %get3A_16] : memref<1x384xf32, #tpu.memory_space<vmem>>, vector<1x384xf32>
    %broadcast_in_dim3A = arith.constant 0.000000e+00 : f32
    %broadcast_in_dim3A_18 = vector.broadcast %broadcast_in_dim3A : f32 to vector<8x128xf32>
    %scan3A = arith.constant 0 : i32
    %scan3A_19 = arith.constant 32 : i32
    %scan3A_20 = arith.addi %scan3A, %scan3A_19 : i32
    %scan3A_21 = arith.constant 1 : i32
    %scan3A_22 = scf.for %scan3A_855 = %scan3A to %scan3A_20 step %scan3A_21 iter_args(%scan3A_856 = %broadcast_in_dim3A_18) -> (vector<8x128xf32>)  : i32 {
      %mul3A_857 = arith.constant 8 : i32
      %mul3A_858 = arith.muli %scan3A_855, %mul3A_857 : i32
      %get3A_859 = arith.index_cast %mul3A_858 : i32 to index
      %get3A_860 = arith.constant 0 : index
      %get3A_861 = vector.load %arg14[%get3A_859, %get3A_860] : memref<256x384xf32, #tpu.memory_space<vmem>>, vector<8x384xf32>
      %dot_general3A_862 = arith.constant dense<0.000000e+00> : vector<8x384xf32>
      %dot_general3A_863 = tpu.matmul %scan3A_856, %get3A_14, %dot_general3A_862 {dimension_numbers = #tpu.dot_dimension_numbers<[1], [1], [0], [0], [0, 0, 1, 0], [], []>, transpose_lhs_hint = false} : vector<8x128xf32>, vector<384x128xf32>, vector<8x384xf32> -> vector<8x384xf32>
      %add3A_864 = vector.broadcast %get3A_17 : vector<1x384xf32> to vector<8x384xf32>
      %add3A_865 = arith.addf %dot_general3A_863, %add3A_864 : vector<8x384xf32>
      %slice3A_866 = vector.extract_strided_slice %get3A_861 {offsets = [0, 0], sizes = [8, 128], strides = [1, 1]} : vector<8x384xf32> to vector<8x128xf32>
      %slice3A_867 = vector.extract_strided_slice %get3A_861 {offsets = [0, 128], sizes = [8, 128], strides = [1, 1]} : vector<8x384xf32> to vector<8x128xf32>
      %slice3A_868 = vector.extract_strided_slice %get3A_861 {offsets = [0, 256], sizes = [8, 128], strides = [1, 1]} : vector<8x384xf32> to vector<8x128xf32>
      %slice3A_869 = vector.extract_strided_slice %add3A_865 {offsets = [0, 0], sizes = [8, 128], strides = [1, 1]} : vector<8x384xf32> to vector<8x128xf32>
      %slice3A_870 = vector.extract_strided_slice %add3A_865 {offsets = [0, 128], sizes = [8, 128], strides = [1, 1]} : vector<8x384xf32> to vector<8x128xf32>
      %slice3A_871 = vector.extract_strided_slice %add3A_865 {offsets = [0, 256], sizes = [8, 128], strides = [1, 1]} : vector<8x384xf32> to vector<8x128xf32>
      %add3A_872 = arith.addf %slice3A_866, %slice3A_869 : vector<8x128xf32>
      %logistic3A_873 = arith.negf %add3A_872 : vector<8x128xf32>
      %logistic3A_874 = math.exp %logistic3A_873 : vector<8x128xf32>
      %logistic3A_875 = arith.constant 1.000000e+00 : f32
      %logistic3A_876 = vector.broadcast %logistic3A_875 : f32 to vector<8x128xf32>
      %logistic3A_877 = arith.addf %logistic3A_876, %logistic3A_874 : vector<8x128xf32>
      %logistic3A_878 = arith.divf %logistic3A_876, %logistic3A_877 : vector<8x128xf32>
      %add3A_879 = arith.addf %slice3A_867, %slice3A_870 : vector<8x128xf32>
      %logistic3A_880 = arith.negf %add3A_879 : vector<8x128xf32>
      %logistic3A_881 = math.exp %logistic3A_880 : vector<8x128xf32>
      %logistic3A_882 = arith.constant 1.000000e+00 : f32
      %logistic3A_883 = vector.broadcast %logistic3A_882 : f32 to vector<8x128xf32>
      %logistic3A_884 = arith.addf %logistic3A_883, %logistic3A_881 : vector<8x128xf32>
      %logistic3A_885 = arith.divf %logistic3A_883, %logistic3A_884 : vector<8x128xf32>
      %mul3A_886 = arith.mulf %logistic3A_878, %slice3A_871 : vector<8x128xf32>
      %add3A_887 = arith.addf %slice3A_868, %mul3A_886 : vector<8x128xf32>
      %tanh3A = math.tanh %add3A_887 : vector<8x128xf32>
      %sub3A_888 = arith.constant 1.000000e+00 : f32
      %sub3A_889 = vector.broadcast %sub3A_888 : f32 to vector<8x128xf32>
      %sub3A_890 = arith.subf %sub3A_889, %logistic3A_885 : vector<8x128xf32>
      %mul3A_891 = arith.mulf %sub3A_890, %tanh3A : vector<8x128xf32>
      %mul3A_892 = arith.mulf %logistic3A_885, %scan3A_856 : vector<8x128xf32>
      %add3A_893 = arith.addf %mul3A_891, %mul3A_892 : vector<8x128xf32>
      %reshape3A = vector.shape_cast %add3A_893 : vector<8x128xf32> to vector<8x1x128xf32>
      %swap3A_894 = arith.constant 0 : index
      %swap3A_895 = arith.index_cast %scan3A_855 : i32 to index
      %swap3A_896 = arith.constant 0 : index
      %swap3A_897 = vector.load %arg15[%swap3A_894, %swap3A_895, %swap3A_896] : memref<8x32x128xf32, #tpu.memory_space<vmem>>, vector<8x1x128xf32>
      tpu.vector_store %arg15[%swap3A_894, %swap3A_895, %swap3A_896], %reshape3A {strides = array<i32>} : memref<8x32x128xf32, #tpu.memory_space<vmem>>, vector<8x1x128xf32>,
      scf.yield %add3A_893 : vector<8x128xf32>
    }
    %scan3A_23 = arith.constant 32 : i32
    %get3A_24 = arith.constant 0 : index
    %get3A_25 = arith.constant 0 : index
    %get3A_26 = memref.load %arg10[%get3A_24, %get3A_25] : memref<1x3xf32, #tpu.memory_space<smem>>
    %get3A_27 = arith.constant 0 : index
    %get3A_28 = arith.constant 1 : index
    %get3A_29 = memref.load %arg10[%get3A_27, %get3A_28] : memref<1x3xf32, #tpu.memory_space<smem>>
    %get3A_30 = arith.constant 0 : index
    %get3A_31 = arith.constant 2 : index
    %get3A_32 = memref.load %arg10[%get3A_30, %get3A_31] : memref<1x3xf32, #tpu.memory_space<smem>>
    %get3A_33 = arith.constant 0 : index
    %get3A_34 = arith.constant 0 : index
    %get3A_35 = memref.load %arg11[%get3A_33, %get3A_34] : memref<1x1xf32, #tpu.memory_space<smem>>
    %get3A_36 = arith.constant 0 : index
    %get3A_37 = arith.constant 0 : index
    %get3A_38 = vector.load %arg7[%get3A_36, %get3A_37] : memref<64x128xf32, #tpu.memory_space<vmem>>, vector<64x128xf32>
    %get3A_39 = arith.constant 0 : index
    %get3A_40 = arith.constant 0 : index
    %get3A_41 = vector.load %arg8[%get3A_39, %get3A_40] : memref<1x64xf32, #tpu.memory_space<vmem>>, vector<1x64xf32>
    %get3A_42 = arith.constant 0 : index
    %get3A_43 = arith.constant 0 : index
    %get3A_44 = vector.load %arg9[%get3A_42, %get3A_43] : memref<3x128xf32, #tpu.memory_space<vmem>>, vector<3x128xf32>
    %iota3A = tpu.iota {dimensions = array<i32: 0>} : vector<32x32xi32>
    %iota3A_45 = tpu.iota {dimensions = array<i32: 1>} : vector<32x32xi32>
    %lt3A = arith.cmpi slt, %iota3A_45, %iota3A : vector<32x32xi32>
    %lt3A_46 = arith.cmpi slt, %iota3A_45, %iota3A : vector<32x32xi32>
    %jit3A = arith.constant 1.000000e+00 : f32
    %jit3A_47 = arith.constant 0.000000e+00 : f32
    %broadcast_in_dim3A_48 = vector.broadcast %jit3A : f32 to vector<32x32xf32>
    %broadcast_in_dim3A_49 = vector.broadcast %jit3A_47 : f32 to vector<32x32xf32>
    %select_n3A = arith.select %lt3A_46, %broadcast_in_dim3A_48, %broadcast_in_dim3A_49 : vector<32x32xi1>, vector<32x32xf32>
    %le3A = arith.cmpi sle, %iota3A, %iota3A_45 : vector<32x32xi32>
    %jit3A_50 = arith.constant 1.000000e+00 : f32
    %jit3A_51 = arith.constant 0.000000e+00 : f32
    %broadcast_in_dim3A_52 = vector.broadcast %jit3A_50 : f32 to vector<32x32xf32>
    %broadcast_in_dim3A_53 = vector.broadcast %jit3A_51 : f32 to vector<32x32xf32>
    %select_n3A_54 = arith.select %le3A, %broadcast_in_dim3A_52, %broadcast_in_dim3A_53 : vector<32x32xi1>, vector<32x32xf32>
    %get3A_55 = arith.constant 0 : index
    %get3A_56 = arith.constant 0 : index
    %get3A_57 = arith.constant 0 : index
    %get3A_58 = vector.load %arg15[%get3A_55, %get3A_56, %get3A_57] : memref<8x32x128xf32, #tpu.memory_space<vmem>>, vector<1x32x128xf32>
    %get3A_59 = vector.shape_cast %get3A_58 : vector<1x32x128xf32> to vector<32x128xf32>
    %dot_general3A_60 = arith.constant dense<0.000000e+00> : vector<32x64xf32>
    %dot_general3A_61 = tpu.matmul %get3A_59, %get3A_38, %dot_general3A_60 {dimension_numbers = #tpu.dot_dimension_numbers<[1], [1], [0], [0], [0, 0, 1, 0], [], []>, transpose_lhs_hint = false} : vector<32x128xf32>, vector<64x128xf32>, vector<32x64xf32> -> vector<32x64xf32>
    %add3A_62 = vector.broadcast %get3A_41 : vector<1x64xf32> to vector<32x64xf32>
    %add3A_63 = arith.addf %dot_general3A_61, %add3A_62 : vector<32x64xf32>
    %swap3A_64 = arith.constant 0 : index
    %swap3A_65 = arith.constant 0 : index
    %swap3A_66 = vector.load %arg12[%swap3A_64, %swap3A_65] : memref<256x64xf32, #tpu.memory_space<vmem>>, vector<32x64xf32>
    tpu.vector_store %arg12[%swap3A_64, %swap3A_65], %add3A_63 {strides = array<i32>} : memref<256x64xf32, #tpu.memory_space<vmem>>, vector<32x64xf32>,
    %dot_general3A_67 = arith.constant dense<0.000000e+00> : vector<32x3xf32>
    %dot_general3A_68 = tpu.matmul %get3A_59, %get3A_44, %dot_general3A_67 {dimension_numbers = #tpu.dot_dimension_numbers<[1], [1], [0], [0], [0, 0, 1, 0], [], []>, transpose_lhs_hint = false} : vector<32x128xf32>, vector<3x128xf32>, vector<32x3xf32> -> vector<32x3xf32>
    %dot_general3A_69 = arith.constant dense<0.000000e+00> : vector<3x32xf32>
    %dot_general3A_70 = tpu.matmul %get3A_44, %get3A_59, %dot_general3A_69 {dimension_numbers = #tpu.dot_dimension_numbers<[1], [1], [0], [0], [0, 0, 1, 0], [], []>, transpose_lhs_hint = false} : vector<3x128xf32>, vector<32x128xf32>, vector<3x32xf32> -> vector<3x32xf32>
    %slice3A = vector.extract_strided_slice %dot_general3A_68 {offsets = [0, 0], sizes = [32, 1], strides = [1, 1]} : vector<32x3xf32> to vector<32x1xf32>
    %add3A_71 = vector.broadcast %get3A_26 : f32 to vector<32x1xf32>
    %add3A_72 = arith.addf %slice3A, %add3A_71 : vector<32x1xf32>
    %logistic3A = arith.negf %add3A_72 : vector<32x1xf32>
    %logistic3A_73 = math.exp %logistic3A : vector<32x1xf32>
    %logistic3A_74 = arith.constant 1.000000e+00 : f32
    %logistic3A_75 = vector.broadcast %logistic3A_74 : f32 to vector<32x1xf32>
    %logistic3A_76 = arith.addf %logistic3A_75, %logistic3A_73 : vector<32x1xf32>
    %logistic3A_77 = arith.divf %logistic3A_75, %logistic3A_76 : vector<32x1xf32>
    %mul3A = vector.broadcast %get3A_35 : f32 to vector<32x1xf32>
    %mul3A_78 = arith.mulf %logistic3A_77, %mul3A : vector<32x1xf32>
    %slice3A_79 = vector.extract_strided_slice %dot_general3A_70 {offsets = [1, 0], sizes = [1, 32], strides = [1, 1]} : vector<3x32xf32> to vector<1x32xf32>
    %add3A_80 = vector.broadcast %get3A_29 : f32 to vector<1x32xf32>
    %add3A_81 = arith.addf %slice3A_79, %add3A_80 : vector<1x32xf32>
    %logistic3A_82 = arith.negf %add3A_81 : vector<1x32xf32>
    %logistic3A_83 = math.exp %logistic3A_82 : vector<1x32xf32>
    %logistic3A_84 = arith.constant 1.000000e+00 : f32
    %logistic3A_85 = vector.broadcast %logistic3A_84 : f32 to vector<1x32xf32>
    %logistic3A_86 = arith.addf %logistic3A_85, %logistic3A_83 : vector<1x32xf32>
    %logistic3A_87 = arith.divf %logistic3A_85, %logistic3A_86 : vector<1x32xf32>
    %slice3A_88 = vector.extract_strided_slice %dot_general3A_68 {offsets = [0, 2], sizes = [32, 1], strides = [1, 1]} : vector<32x3xf32> to vector<32x1xf32>
    %add3A_89 = vector.broadcast %get3A_32 : f32 to vector<32x1xf32>
    %add3A_90 = arith.addf %slice3A_88, %add3A_89 : vector<32x1xf32>
    %logistic3A_91 = arith.negf %add3A_90 : vector<32x1xf32>
    %logistic3A_92 = math.exp %logistic3A_91 : vector<32x1xf32>
    %logistic3A_93 = arith.constant 1.000000e+00 : f32
    %logistic3A_94 = vector.broadcast %logistic3A_93 : f32 to vector<32x1xf32>
    %logistic3A_95 = arith.addf %logistic3A_94, %logistic3A_92 : vector<32x1xf32>
    %logistic3A_96 = arith.divf %logistic3A_94, %logistic3A_95 : vector<32x1xf32>
    %slice3A_97 = vector.extract_strided_slice %dot_general3A_70 {offsets = [2, 0], sizes = [1, 32], strides = [1, 1]} : vector<3x32xf32> to vector<1x32xf32>
    %add3A_98 = vector.broadcast %get3A_32 : f32 to vector<1x32xf32>
    %add3A_99 = arith.addf %slice3A_97, %add3A_98 : vector<1x32xf32>
    %logistic3A_100 = arith.negf %add3A_99 : vector<1x32xf32>
    %logistic3A_101 = math.exp %logistic3A_100 : vector<1x32xf32>
    %logistic3A_102 = arith.constant 1.000000e+00 : f32
    %logistic3A_103 = vector.broadcast %logistic3A_102 : f32 to vector<1x32xf32>
    %logistic3A_104 = arith.addf %logistic3A_103, %logistic3A_101 : vector<1x32xf32>
    %logistic3A_105 = arith.divf %logistic3A_103, %logistic3A_104 : vector<1x32xf32>
    %max3A = arith.constant 1.000000e-30 : f32
    %max3A_106 = vector.broadcast %max3A : f32 to vector<32x1xf32>
    %max3A_107 = arith.maximumf %logistic3A_96, %max3A_106 : vector<32x1xf32>
    %log3A = math.log %max3A_107 : vector<32x1xf32>
    %max3A_108 = arith.constant 1.000000e-30 : f32
    %max3A_109 = vector.broadcast %max3A_108 : f32 to vector<1x32xf32>
    %max3A_110 = arith.maximumf %logistic3A_105, %max3A_109 : vector<1x32xf32>
    %log3A_111 = math.log %max3A_110 : vector<1x32xf32>
    %dot_general3A_112 = arith.constant dense<0.000000e+00> : vector<1x32xf32>
    %dot_general3A_113 = tpu.matmul %log3A_111, %select_n3A_54, %dot_general3A_112 {dimension_numbers = #tpu.dot_dimension_numbers<[1], [0], [0], [1], [0, 0, 1, 1], [], []>, transpose_lhs_hint = false} : vector<1x32xf32>, vector<32x32xf32>, vector<1x32xf32> -> vector<1x32xf32>
    %dot_general3A_114 = arith.constant dense<0.000000e+00> : vector<32x1xf32>
    %dot_general3A_115 = tpu.matmul %select_n3A, %log3A, %dot_general3A_114 {dimension_numbers = #tpu.dot_dimension_numbers<[1], [0], [0], [1], [0, 0, 1, 1], [], []>, transpose_lhs_hint = false} : vector<32x32xf32>, vector<32x1xf32>, vector<32x1xf32> -> vector<32x1xf32>
    %sub3A = vector.broadcast %dot_general3A_115 : vector<32x1xf32> to vector<32x32xf32>
    %sub3A_116 = vector.broadcast %dot_general3A_113 : vector<1x32xf32> to vector<32x32xf32>
    %sub3A_117 = arith.subf %sub3A, %sub3A_116 : vector<32x32xf32>
    %jit3A_118 = arith.constant -1.000000e+30 : f32
    %broadcast_in_dim3A_119 = vector.broadcast %jit3A_118 : f32 to vector<32x32xf32>
    %select_n3A_120 = arith.select %lt3A, %sub3A_117, %broadcast_in_dim3A_119 : vector<32x32xi1>, vector<32x32xf32>
    %exp3A = math.exp %select_n3A_120 : vector<32x32xf32>
    %mul3A_121 = vector.broadcast %logistic3A_87 : vector<1x32xf32> to vector<32x32xf32>
    %mul3A_122 = arith.mulf %exp3A, %mul3A_121 : vector<32x32xf32>
    %mul3A_123 = vector.broadcast %mul3A_78 : vector<32x1xf32> to vector<32x32xf32>
    %mul3A_124 = arith.mulf %mul3A_122, %mul3A_123 : vector<32x32xf32>
    %get3A_125 = arith.constant 0 : index
    %get3A_126 = arith.constant 0 : index
    %get3A_127 = vector.load %arg0[%get3A_125, %get3A_126] : memref<8x32xi32, #tpu.memory_space<vmem>>, vector<1x32xi32>
    %get3A_128 = arith.constant 0 : index
    %get3A_129 = arith.constant 0 : index
    %get3A_130 = arith.constant 0 : index
    %get3A_131 = vector.load %arg1[%get3A_128, %get3A_129, %get3A_130] : memref<8x32x1xi32, #tpu.memory_space<vmem>>, vector<1x32x1xi32>
    %get3A_132 = vector.shape_cast %get3A_131 : vector<1x32x1xi32> to vector<32x1xi32>
    %eq3A = vector.broadcast %get3A_132 : vector<32x1xi32> to vector<32x32xi32>
    %eq3A_133 = vector.broadcast %get3A_127 : vector<1x32xi32> to vector<32x32xi32>
    %eq3A_134 = arith.cmpi eq, %eq3A, %eq3A_133 : vector<32x32xi32>
    %jit3A_135 = arith.constant 1.000000e+00 : f32
    %jit3A_136 = arith.constant 0.000000e+00 : f32
    %broadcast_in_dim3A_137 = vector.broadcast %jit3A_135 : f32 to vector<32x32xf32>
    %broadcast_in_dim3A_138 = vector.broadcast %jit3A_136 : f32 to vector<32x32xf32>
    %select_n3A_139 = arith.select %eq3A_134, %broadcast_in_dim3A_137, %broadcast_in_dim3A_138 : vector<32x32xi1>, vector<32x32xf32>
    %dot_general3A_140 = arith.constant dense<0.000000e+00> : vector<32x32xf32>
    %dot_general3A_141 = tpu.matmul %mul3A_124, %select_n3A_139, %dot_general3A_140 {dimension_numbers = #tpu.dot_dimension_numbers<[1], [1], [0], [0], [0, 0, 1, 0], [], []>, transpose_lhs_hint = false} : vector<32x32xf32>, vector<32x32xf32>, vector<32x32xf32> -> vector<32x32xf32>
    %swap3A_142 = arith.constant 0 : index
    %swap3A_143 = arith.constant 0 : index
    %swap3A_144 = arith.constant 0 : index
    %swap3A_145 = vector.load %arg13[%swap3A_142, %swap3A_143, %swap3A_144] : memref<8x32x32xf32, #tpu.memory_space<vmem>>, vector<1x32x32xf32>
    %swap3A_146 = vector.shape_cast %swap3A_145 : vector<1x32x32xf32> to vector<32x32xf32>
    %swap3A_147 = vector.shape_cast %dot_general3A_141 : vector<32x32xf32> to vector<1x32x32xf32>
    tpu.vector_store %arg13[%swap3A_142, %swap3A_143, %swap3A_144], %swap3A_147 {strides = array<i32>} : memref<8x32x32xf32, #tpu.memory_space<vmem>>, vector<1x32x32xf32>,
    %get3A_148 = arith.constant 1 : index
    %get3A_149 = arith.constant 0 : index
    %get3A_150 = arith.constant 0 : index
    %get3A_151 = vector.load %arg15[%get3A_148, %get3A_149, %get3A_150] : memref<8x32x128xf32, #tpu.memory_space<vmem>>, vector<1x32x128xf32>
    %get3A_152 = vector.shape_cast %get3A_151 : vector<1x32x128xf32> to vector<32x128xf32>
    %dot_general3A_153 = arith.constant dense<0.000000e+00> : vector<32x64xf32>
    %dot_general3A_154 = tpu.matmul %get3A_152, %get3A_38, %dot_general3A_153 {dimension_numbers = #tpu.dot_dimension_numbers<[1], [1], [0], [0], [0, 0, 1, 0], [], []>, transpose_lhs_hint = false} : vector<32x128xf32>, vector<64x128xf32>, vector<32x64xf32> -> vector<32x64xf32>
    %add3A_155 = vector.broadcast %get3A_41 : vector<1x64xf32> to vector<32x64xf32>
    %add3A_156 = arith.addf %dot_general3A_154, %add3A_155 : vector<32x64xf32>
    %swap3A_157 = arith.constant 32 : index
    %swap3A_158 = arith.constant 0 : index
    %swap3A_159 = vector.load %arg12[%swap3A_157, %swap3A_158] : memref<256x64xf32, #tpu.memory_space<vmem>>, vector<32x64xf32>
    tpu.vector_store %arg12[%swap3A_157, %swap3A_158], %add3A_156 {strides = array<i32>} : memref<256x64xf32, #tpu.memory_space<vmem>>, vector<32x64xf32>,
    %dot_general3A_160 = arith.constant dense<0.000000e+00> : vector<32x3xf32>
    %dot_general3A_161 = tpu.matmul %get3A_152, %get3A_44, %dot_general3A_160 {dimension_numbers = #tpu.dot_dimension_numbers<[1], [1], [0], [0], [0, 0, 1, 0], [], []>, transpose_lhs_hint = false} : vector<32x128xf32>, vector<3x128xf32>, vector<32x3xf32> -> vector<32x3xf32>
    %dot_general3A_162 = arith.constant dense<0.000000e+00> : vector<3x32xf32>
    %dot_general3A_163 = tpu.matmul %get3A_44, %get3A_152, %dot_general3A_162 {dimension_numbers = #tpu.dot_dimension_numbers<[1], [1], [0], [0], [0, 0, 1, 0], [], []>, transpose_lhs_hint = false} : vector<3x128xf32>, vector<32x128xf32>, vector<3x32xf32> -> vector<3x32xf32>
    %slice3A_164 = vector.extract_strided_slice %dot_general3A_161 {offsets = [0, 0], sizes = [32, 1], strides = [1, 1]} : vector<32x3xf32> to vector<32x1xf32>
    %add3A_165 = vector.broadcast %get3A_26 : f32 to vector<32x1xf32>
    %add3A_166 = arith.addf %slice3A_164, %add3A_165 : vector<32x1xf32>
    %logistic3A_167 = arith.negf %add3A_166 : vector<32x1xf32>
    %logistic3A_168 = math.exp %logistic3A_167 : vector<32x1xf32>
    %logistic3A_169 = arith.constant 1.000000e+00 : f32
    %logistic3A_170 = vector.broadcast %logistic3A_169 : f32 to vector<32x1xf32>
    %logistic3A_171 = arith.addf %logistic3A_170, %logistic3A_168 : vector<32x1xf32>
    %logistic3A_172 = arith.divf %logistic3A_170, %logistic3A_171 : vector<32x1xf32>
    %mul3A_173 = vector.broadcast %get3A_35 : f32 to vector<32x1xf32>
    %mul3A_174 = arith.mulf %logistic3A_172, %mul3A_173 : vector<32x1xf32>
    %slice3A_175 = vector.extract_strided_slice %dot_general3A_163 {offsets = [1, 0], sizes = [1, 32], strides = [1, 1]} : vector<3x32xf32> to vector<1x32xf32>
    %add3A_176 = vector.broadcast %get3A_29 : f32 to vector<1x32xf32>
    %add3A_177 = arith.addf %slice3A_175, %add3A_176 : vector<1x32xf32>
    %logistic3A_178 = arith.negf %add3A_177 : vector<1x32xf32>
    %logistic3A_179 = math.exp %logistic3A_178 : vector<1x32xf32>
    %logistic3A_180 = arith.constant 1.000000e+00 : f32
    %logistic3A_181 = vector.broadcast %logistic3A_180 : f32 to vector<1x32xf32>
    %logistic3A_182 = arith.addf %logistic3A_181, %logistic3A_179 : vector<1x32xf32>
    %logistic3A_183 = arith.divf %logistic3A_181, %logistic3A_182 : vector<1x32xf32>
    %slice3A_184 = vector.extract_strided_slice %dot_general3A_161 {offsets = [0, 2], sizes = [32, 1], strides = [1, 1]} : vector<32x3xf32> to vector<32x1xf32>
    %add3A_185 = vector.broadcast %get3A_32 : f32 to vector<32x1xf32>
    %add3A_186 = arith.addf %slice3A_184, %add3A_185 : vector<32x1xf32>
    %logistic3A_187 = arith.negf %add3A_186 : vector<32x1xf32>
    %logistic3A_188 = math.exp %logistic3A_187 : vector<32x1xf32>
    %logistic3A_189 = arith.constant 1.000000e+00 : f32
    %logistic3A_190 = vector.broadcast %logistic3A_189 : f32 to vector<32x1xf32>
    %logistic3A_191 = arith.addf %logistic3A_190, %logistic3A_188 : vector<32x1xf32>
    %logistic3A_192 = arith.divf %logistic3A_190, %logistic3A_191 : vector<32x1xf32>
    %slice3A_193 = vector.extract_strided_slice %dot_general3A_163 {offsets = [2, 0], sizes = [1, 32], strides = [1, 1]} : vector<3x32xf32> to vector<1x32xf32>
    %add3A_194 = vector.broadcast %get3A_32 : f32 to vector<1x32xf32>
    %add3A_195 = arith.addf %slice3A_193, %add3A_194 : vector<1x32xf32>
    %logistic3A_196 = arith.negf %add3A_195 : vector<1x32xf32>
    %logistic3A_197 = math.exp %logistic3A_196 : vector<1x32xf32>
    %logistic3A_198 = arith.constant 1.000000e+00 : f32
    %logistic3A_199 = vector.broadcast %logistic3A_198 : f32 to vector<1x32xf32>
    %logistic3A_200 = arith.addf %logistic3A_199, %logistic3A_197 : vector<1x32xf32>
    %logistic3A_201 = arith.divf %logistic3A_199, %logistic3A_200 : vector<1x32xf32>
    %max3A_202 = arith.constant 1.000000e-30 : f32
    %max3A_203 = vector.broadcast %max3A_202 : f32 to vector<32x1xf32>
    %max3A_204 = arith.maximumf %logistic3A_192, %max3A_203 : vector<32x1xf32>
    %log3A_205 = math.log %max3A_204 : vector<32x1xf32>
    %max3A_206 = arith.constant 1.000000e-30 : f32
    %max3A_207 = vector.broadcast %max3A_206 : f32 to vector<1x32xf32>
    %max3A_208 = arith.maximumf %logistic3A_201, %max3A_207 : vector<1x32xf32>
    %log3A_209 = math.log %max3A_208 : vector<1x32xf32>
    %dot_general3A_210 = arith.constant dense<0.000000e+00> : vector<1x32xf32>
    %dot_general3A_211 = tpu.matmul %log3A_209, %select_n3A_54, %dot_general3A_210 {dimension_numbers = #tpu.dot_dimension_numbers<[1], [0], [0], [1], [0, 0, 1, 1], [], []>, transpose_lhs_hint = false} : vector<1x32xf32>, vector<32x32xf32>, vector<1x32xf32> -> vector<1x32xf32>
    %dot_general3A_212 = arith.constant dense<0.000000e+00> : vector<32x1xf32>
    %dot_general3A_213 = tpu.matmul %select_n3A, %log3A_205, %dot_general3A_212 {dimension_numbers = #tpu.dot_dimension_numbers<[1], [0], [0], [1], [0, 0, 1, 1], [], []>, transpose_lhs_hint = false} : vector<32x32xf32>, vector<32x1xf32>, vector<32x1xf32> -> vector<32x1xf32>
    %sub3A_214 = vector.broadcast %dot_general3A_213 : vector<32x1xf32> to vector<32x32xf32>
    %sub3A_215 = vector.broadcast %dot_general3A_211 : vector<1x32xf32> to vector<32x32xf32>
    %sub3A_216 = arith.subf %sub3A_214, %sub3A_215 : vector<32x32xf32>
    %jit3A_217 = arith.constant -1.000000e+30 : f32
    %broadcast_in_dim3A_218 = vector.broadcast %jit3A_217 : f32 to vector<32x32xf32>
    %select_n3A_219 = arith.select %lt3A, %sub3A_216, %broadcast_in_dim3A_218 : vector<32x32xi1>, vector<32x32xf32>
    %exp3A_220 = math.exp %select_n3A_219 : vector<32x32xf32>
    %mul3A_221 = vector.broadcast %logistic3A_183 : vector<1x32xf32> to vector<32x32xf32>
    %mul3A_222 = arith.mulf %exp3A_220, %mul3A_221 : vector<32x32xf32>
    %mul3A_223 = vector.broadcast %mul3A_174 : vector<32x1xf32> to vector<32x32xf32>
    %mul3A_224 = arith.mulf %mul3A_222, %mul3A_223 : vector<32x32xf32>
    %get3A_225 = arith.constant 1 : index
    %get3A_226 = arith.constant 0 : index
    %get3A_227 = vector.load %arg0[%get3A_225, %get3A_226] : memref<8x32xi32, #tpu.memory_space<vmem>>, vector<1x32xi32>
    %get3A_228 = arith.constant 1 : index
    %get3A_229 = arith.constant 0 : index
    %get3A_230 = arith.constant 0 : index
    %get3A_231 = vector.load %arg1[%get3A_228, %get3A_229, %get3A_230] : memref<8x32x1xi32, #tpu.memory_space<vmem>>, vector<1x32x1xi32>
    %get3A_232 = vector.shape_cast %get3A_231 : vector<1x32x1xi32> to vector<32x1xi32>
    %eq3A_233 = vector.broadcast %get3A_232 : vector<32x1xi32> to vector<32x32xi32>
    %eq3A_234 = vector.broadcast %get3A_227 : vector<1x32xi32> to vector<32x32xi32>
    %eq3A_235 = arith.cmpi eq, %eq3A_233, %eq3A_234 : vector<32x32xi32>
    %jit3A_236 = arith.constant 1.000000e+00 : f32
    %jit3A_237 = arith.constant 0.000000e+00 : f32
    %broadcast_in_dim3A_238 = vector.broadcast %jit3A_236 : f32 to vector<32x32xf32>
    %broadcast_in_dim3A_239 = vector.broadcast %jit3A_237 : f32 to vector<32x32xf32>
    %select_n3A_240 = arith.select %eq3A_235, %broadcast_in_dim3A_238, %broadcast_in_dim3A_239 : vector<32x32xi1>, vector<32x32xf32>
    %dot_general3A_241 = arith.constant dense<0.000000e+00> : vector<32x32xf32>
    %dot_general3A_242 = tpu.matmul %mul3A_224, %select_n3A_240, %dot_general3A_241 {dimension_numbers = #tpu.dot_dimension_numbers<[1], [1], [0], [0], [0, 0, 1, 0], [], []>, transpose_lhs_hint = false} : vector<32x32xf32>, vector<32x32xf32>, vector<32x32xf32> -> vector<32x32xf32>
    %swap3A_243 = arith.constant 1 : index
    %swap3A_244 = arith.constant 0 : index
    %swap3A_245 = arith.constant 0 : index
    %swap3A_246 = vector.load %arg13[%swap3A_243, %swap3A_244, %swap3A_245] : memref<8x32x32xf32, #tpu.memory_space<vmem>>, vector<1x32x32xf32>
    %swap3A_247 = vector.shape_cast %swap3A_246 : vector<1x32x32xf32> to vector<32x32xf32>
    %swap3A_248 = vector.shape_cast %dot_general3A_242 : vector<32x32xf32> to vector<1x32x32xf32>
    tpu.vector_store %arg13[%swap3A_243, %swap3A_244, %swap3A_245], %swap3A_248 {strides = array<i32>} : memref<8x32x32xf32, #tpu.memory_space<vmem>>, vector<1x32x32xf32>,
    %get3A_249 = arith.constant 2 : index
    %get3A_250 = arith.constant 0 : index
    %get3A_251 = arith.constant 0 : index
    %get3A_252 = vector.load %arg15[%get3A_249, %get3A_250, %get3A_251] : memref<8x32x128xf32, #tpu.memory_space<vmem>>, vector<1x32x128xf32>
    %get3A_253 = vector.shape_cast %get3A_252 : vector<1x32x128xf32> to vector<32x128xf32>
    %dot_general3A_254 = arith.constant dense<0.000000e+00> : vector<32x64xf32>
    %dot_general3A_255 = tpu.matmul %get3A_253, %get3A_38, %dot_general3A_254 {dimension_numbers = #tpu.dot_dimension_numbers<[1], [1], [0], [0], [0, 0, 1, 0], [], []>, transpose_lhs_hint = false} : vector<32x128xf32>, vector<64x128xf32>, vector<32x64xf32> -> vector<32x64xf32>
    %add3A_256 = vector.broadcast %get3A_41 : vector<1x64xf32> to vector<32x64xf32>
    %add3A_257 = arith.addf %dot_general3A_255, %add3A_256 : vector<32x64xf32>
    %swap3A_258 = arith.constant 64 : index
    %swap3A_259 = arith.constant 0 : index
    %swap3A_260 = vector.load %arg12[%swap3A_258, %swap3A_259] : memref<256x64xf32, #tpu.memory_space<vmem>>, vector<32x64xf32>
    tpu.vector_store %arg12[%swap3A_258, %swap3A_259], %add3A_257 {strides = array<i32>} : memref<256x64xf32, #tpu.memory_space<vmem>>, vector<32x64xf32>,
    %dot_general3A_261 = arith.constant dense<0.000000e+00> : vector<32x3xf32>
    %dot_general3A_262 = tpu.matmul %get3A_253, %get3A_44, %dot_general3A_261 {dimension_numbers = #tpu.dot_dimension_numbers<[1], [1], [0], [0], [0, 0, 1, 0], [], []>, transpose_lhs_hint = false} : vector<32x128xf32>, vector<3x128xf32>, vector<32x3xf32> -> vector<32x3xf32>
    %dot_general3A_263 = arith.constant dense<0.000000e+00> : vector<3x32xf32>
    %dot_general3A_264 = tpu.matmul %get3A_44, %get3A_253, %dot_general3A_263 {dimension_numbers = #tpu.dot_dimension_numbers<[1], [1], [0], [0], [0, 0, 1, 0], [], []>, transpose_lhs_hint = false} : vector<3x128xf32>, vector<32x128xf32>, vector<3x32xf32> -> vector<3x32xf32>
    %slice3A_265 = vector.extract_strided_slice %dot_general3A_262 {offsets = [0, 0], sizes = [32, 1], strides = [1, 1]} : vector<32x3xf32> to vector<32x1xf32>
    %add3A_266 = vector.broadcast %get3A_26 : f32 to vector<32x1xf32>
    %add3A_267 = arith.addf %slice3A_265, %add3A_266 : vector<32x1xf32>
    %logistic3A_268 = arith.negf %add3A_267 : vector<32x1xf32>
    %logistic3A_269 = math.exp %logistic3A_268 : vector<32x1xf32>
    %logistic3A_270 = arith.constant 1.000000e+00 : f32
    %logistic3A_271 = vector.broadcast %logistic3A_270 : f32 to vector<32x1xf32>
    %logistic3A_272 = arith.addf %logistic3A_271, %logistic3A_269 : vector<32x1xf32>
    %logistic3A_273 = arith.divf %logistic3A_271, %logistic3A_272 : vector<32x1xf32>
    %mul3A_274 = vector.broadcast %get3A_35 : f32 to vector<32x1xf32>
    %mul3A_275 = arith.mulf %logistic3A_273, %mul3A_274 : vector<32x1xf32>
    %slice3A_276 = vector.extract_strided_slice %dot_general3A_264 {offsets = [1, 0], sizes = [1, 32], strides = [1, 1]} : vector<3x32xf32> to vector<1x32xf32>
    %add3A_277 = vector.broadcast %get3A_29 : f32 to vector<1x32xf32>
    %add3A_278 = arith.addf %slice3A_276, %add3A_277 : vector<1x32xf32>
    %logistic3A_279 = arith.negf %add3A_278 : vector<1x32xf32>
    %logistic3A_280 = math.exp %logistic3A_279 : vector<1x32xf32>
    %logistic3A_281 = arith.constant 1.000000e+00 : f32
    %logistic3A_282 = vector.broadcast %logistic3A_281 : f32 to vector<1x32xf32>
    %logistic3A_283 = arith.addf %logistic3A_282, %logistic3A_280 : vector<1x32xf32>
    %logistic3A_284 = arith.divf %logistic3A_282, %logistic3A_283 : vector<1x32xf32>
    %slice3A_285 = vector.extract_strided_slice %dot_general3A_262 {offsets = [0, 2], sizes = [32, 1], strides = [1, 1]} : vector<32x3xf32> to vector<32x1xf32>
    %add3A_286 = vector.broadcast %get3A_32 : f32 to vector<32x1xf32>
    %add3A_287 = arith.addf %slice3A_285, %add3A_286 : vector<32x1xf32>
    %logistic3A_288 = arith.negf %add3A_287 : vector<32x1xf32>
    %logistic3A_289 = math.exp %logistic3A_288 : vector<32x1xf32>
    %logistic3A_290 = arith.constant 1.000000e+00 : f32
    %logistic3A_291 = vector.broadcast %logistic3A_290 : f32 to vector<32x1xf32>
    %logistic3A_292 = arith.addf %logistic3A_291, %logistic3A_289 : vector<32x1xf32>
    %logistic3A_293 = arith.divf %logistic3A_291, %logistic3A_292 : vector<32x1xf32>
    %slice3A_294 = vector.extract_strided_slice %dot_general3A_264 {offsets = [2, 0], sizes = [1, 32], strides = [1, 1]} : vector<3x32xf32> to vector<1x32xf32>
    %add3A_295 = vector.broadcast %get3A_32 : f32 to vector<1x32xf32>
    %add3A_296 = arith.addf %slice3A_294, %add3A_295 : vector<1x32xf32>
    %logistic3A_297 = arith.negf %add3A_296 : vector<1x32xf32>
    %logistic3A_298 = math.exp %logistic3A_297 : vector<1x32xf32>
    %logistic3A_299 = arith.constant 1.000000e+00 : f32
    %logistic3A_300 = vector.broadcast %logistic3A_299 : f32 to vector<1x32xf32>
    %logistic3A_301 = arith.addf %logistic3A_300, %logistic3A_298 : vector<1x32xf32>
    %logistic3A_302 = arith.divf %logistic3A_300, %logistic3A_301 : vector<1x32xf32>
    %max3A_303 = arith.constant 1.000000e-30 : f32
    %max3A_304 = vector.broadcast %max3A_303 : f32 to vector<32x1xf32>
    %max3A_305 = arith.maximumf %logistic3A_293, %max3A_304 : vector<32x1xf32>
    %log3A_306 = math.log %max3A_305 : vector<32x1xf32>
    %max3A_307 = arith.constant 1.000000e-30 : f32
    %max3A_308 = vector.broadcast %max3A_307 : f32 to vector<1x32xf32>
    %max3A_309 = arith.maximumf %logistic3A_302, %max3A_308 : vector<1x32xf32>
    %log3A_310 = math.log %max3A_309 : vector<1x32xf32>
    %dot_general3A_311 = arith.constant dense<0.000000e+00> : vector<1x32xf32>
    %dot_general3A_312 = tpu.matmul %log3A_310, %select_n3A_54, %dot_general3A_311 {dimension_numbers = #tpu.dot_dimension_numbers<[1], [0], [0], [1], [0, 0, 1, 1], [], []>, transpose_lhs_hint = false} : vector<1x32xf32>, vector<32x32xf32>, vector<1x32xf32> -> vector<1x32xf32>
    %dot_general3A_313 = arith.constant dense<0.000000e+00> : vector<32x1xf32>
    %dot_general3A_314 = tpu.matmul %select_n3A, %log3A_306, %dot_general3A_313 {dimension_numbers = #tpu.dot_dimension_numbers<[1], [0], [0], [1], [0, 0, 1, 1], [], []>, transpose_lhs_hint = false} : vector<32x32xf32>, vector<32x1xf32>, vector<32x1xf32> -> vector<32x1xf32>
    %sub3A_315 = vector.broadcast %dot_general3A_314 : vector<32x1xf32> to vector<32x32xf32>
    %sub3A_316 = vector.broadcast %dot_general3A_312 : vector<1x32xf32> to vector<32x32xf32>
    %sub3A_317 = arith.subf %sub3A_315, %sub3A_316 : vector<32x32xf32>
    %jit3A_318 = arith.constant -1.000000e+30 : f32
    %broadcast_in_dim3A_319 = vector.broadcast %jit3A_318 : f32 to vector<32x32xf32>
    %select_n3A_320 = arith.select %lt3A, %sub3A_317, %broadcast_in_dim3A_319 : vector<32x32xi1>, vector<32x32xf32>
    %exp3A_321 = math.exp %select_n3A_320 : vector<32x32xf32>
    %mul3A_322 = vector.broadcast %logistic3A_284 : vector<1x32xf32> to vector<32x32xf32>
    %mul3A_323 = arith.mulf %exp3A_321, %mul3A_322 : vector<32x32xf32>
    %mul3A_324 = vector.broadcast %mul3A_275 : vector<32x1xf32> to vector<32x32xf32>
    %mul3A_325 = arith.mulf %mul3A_323, %mul3A_324 : vector<32x32xf32>
    %get3A_326 = arith.constant 2 : index
    %get3A_327 = arith.constant 0 : index
    %get3A_328 = vector.load %arg0[%get3A_326, %get3A_327] : memref<8x32xi32, #tpu.memory_space<vmem>>, vector<1x32xi32>
    %get3A_329 = arith.constant 2 : index
    %get3A_330 = arith.constant 0 : index
    %get3A_331 = arith.constant 0 : index
    %get3A_332 = vector.load %arg1[%get3A_329, %get3A_330, %get3A_331] : memref<8x32x1xi32, #tpu.memory_space<vmem>>, vector<1x32x1xi32>
    %get3A_333 = vector.shape_cast %get3A_332 : vector<1x32x1xi32> to vector<32x1xi32>
    %eq3A_334 = vector.broadcast %get3A_333 : vector<32x1xi32> to vector<32x32xi32>
    %eq3A_335 = vector.broadcast %get3A_328 : vector<1x32xi32> to vector<32x32xi32>
    %eq3A_336 = arith.cmpi eq, %eq3A_334, %eq3A_335 : vector<32x32xi32>
    %jit3A_337 = arith.constant 1.000000e+00 : f32
    %jit3A_338 = arith.constant 0.000000e+00 : f32
    %broadcast_in_dim3A_339 = vector.broadcast %jit3A_337 : f32 to vector<32x32xf32>
    %broadcast_in_dim3A_340 = vector.broadcast %jit3A_338 : f32 to vector<32x32xf32>
    %select_n3A_341 = arith.select %eq3A_336, %broadcast_in_dim3A_339, %broadcast_in_dim3A_340 : vector<32x32xi1>, vector<32x32xf32>
    %dot_general3A_342 = arith.constant dense<0.000000e+00> : vector<32x32xf32>
    %dot_general3A_343 = tpu.matmul %mul3A_325, %select_n3A_341, %dot_general3A_342 {dimension_numbers = #tpu.dot_dimension_numbers<[1], [1], [0], [0], [0, 0, 1, 0], [], []>, transpose_lhs_hint = false} : vector<32x32xf32>, vector<32x32xf32>, vector<32x32xf32> -> vector<32x32xf32>
    %swap3A_344 = arith.constant 2 : index
    %swap3A_345 = arith.constant 0 : index
    %swap3A_346 = arith.constant 0 : index
    %swap3A_347 = vector.load %arg13[%swap3A_344, %swap3A_345, %swap3A_346] : memref<8x32x32xf32, #tpu.memory_space<vmem>>, vector<1x32x32xf32>
    %swap3A_348 = vector.shape_cast %swap3A_347 : vector<1x32x32xf32> to vector<32x32xf32>
    %swap3A_349 = vector.shape_cast %dot_general3A_343 : vector<32x32xf32> to vector<1x32x32xf32>
    tpu.vector_store %arg13[%swap3A_344, %swap3A_345, %swap3A_346], %swap3A_349 {strides = array<i32>} : memref<8x32x32xf32, #tpu.memory_space<vmem>>, vector<1x32x32xf32>,
    %get3A_350 = arith.constant 3 : index
    %get3A_351 = arith.constant 0 : index
    %get3A_352 = arith.constant 0 : index
    %get3A_353 = vector.load %arg15[%get3A_350, %get3A_351, %get3A_352] : memref<8x32x128xf32, #tpu.memory_space<vmem>>, vector<1x32x128xf32>
    %get3A_354 = vector.shape_cast %get3A_353 : vector<1x32x128xf32> to vector<32x128xf32>
    %dot_general3A_355 = arith.constant dense<0.000000e+00> : vector<32x64xf32>
    %dot_general3A_356 = tpu.matmul %get3A_354, %get3A_38, %dot_general3A_355 {dimension_numbers = #tpu.dot_dimension_numbers<[1], [1], [0], [0], [0, 0, 1, 0], [], []>, transpose_lhs_hint = false} : vector<32x128xf32>, vector<64x128xf32>, vector<32x64xf32> -> vector<32x64xf32>
    %add3A_357 = vector.broadcast %get3A_41 : vector<1x64xf32> to vector<32x64xf32>
    %add3A_358 = arith.addf %dot_general3A_356, %add3A_357 : vector<32x64xf32>
    %swap3A_359 = arith.constant 96 : index
    %swap3A_360 = arith.constant 0 : index
    %swap3A_361 = vector.load %arg12[%swap3A_359, %swap3A_360] : memref<256x64xf32, #tpu.memory_space<vmem>>, vector<32x64xf32>
    tpu.vector_store %arg12[%swap3A_359, %swap3A_360], %add3A_358 {strides = array<i32>} : memref<256x64xf32, #tpu.memory_space<vmem>>, vector<32x64xf32>,
    %dot_general3A_362 = arith.constant dense<0.000000e+00> : vector<32x3xf32>
    %dot_general3A_363 = tpu.matmul %get3A_354, %get3A_44, %dot_general3A_362 {dimension_numbers = #tpu.dot_dimension_numbers<[1], [1], [0], [0], [0, 0, 1, 0], [], []>, transpose_lhs_hint = false} : vector<32x128xf32>, vector<3x128xf32>, vector<32x3xf32> -> vector<32x3xf32>
    %dot_general3A_364 = arith.constant dense<0.000000e+00> : vector<3x32xf32>
    %dot_general3A_365 = tpu.matmul %get3A_44, %get3A_354, %dot_general3A_364 {dimension_numbers = #tpu.dot_dimension_numbers<[1], [1], [0], [0], [0, 0, 1, 0], [], []>, transpose_lhs_hint = false} : vector<3x128xf32>, vector<32x128xf32>, vector<3x32xf32> -> vector<3x32xf32>
    %slice3A_366 = vector.extract_strided_slice %dot_general3A_363 {offsets = [0, 0], sizes = [32, 1], strides = [1, 1]} : vector<32x3xf32> to vector<32x1xf32>
    %add3A_367 = vector.broadcast %get3A_26 : f32 to vector<32x1xf32>
    %add3A_368 = arith.addf %slice3A_366, %add3A_367 : vector<32x1xf32>
    %logistic3A_369 = arith.negf %add3A_368 : vector<32x1xf32>
    %logistic3A_370 = math.exp %logistic3A_369 : vector<32x1xf32>
    %logistic3A_371 = arith.constant 1.000000e+00 : f32
    %logistic3A_372 = vector.broadcast %logistic3A_371 : f32 to vector<32x1xf32>
    %logistic3A_373 = arith.addf %logistic3A_372, %logistic3A_370 : vector<32x1xf32>
    %logistic3A_374 = arith.divf %logistic3A_372, %logistic3A_373 : vector<32x1xf32>
    %mul3A_375 = vector.broadcast %get3A_35 : f32 to vector<32x1xf32>
    %mul3A_376 = arith.mulf %logistic3A_374, %mul3A_375 : vector<32x1xf32>
    %slice3A_377 = vector.extract_strided_slice %dot_general3A_365 {offsets = [1, 0], sizes = [1, 32], strides = [1, 1]} : vector<3x32xf32> to vector<1x32xf32>
    %add3A_378 = vector.broadcast %get3A_29 : f32 to vector<1x32xf32>
    %add3A_379 = arith.addf %slice3A_377, %add3A_378 : vector<1x32xf32>
    %logistic3A_380 = arith.negf %add3A_379 : vector<1x32xf32>
    %logistic3A_381 = math.exp %logistic3A_380 : vector<1x32xf32>
    %logistic3A_382 = arith.constant 1.000000e+00 : f32
    %logistic3A_383 = vector.broadcast %logistic3A_382 : f32 to vector<1x32xf32>
    %logistic3A_384 = arith.addf %logistic3A_383, %logistic3A_381 : vector<1x32xf32>
    %logistic3A_385 = arith.divf %logistic3A_383, %logistic3A_384 : vector<1x32xf32>
    %slice3A_386 = vector.extract_strided_slice %dot_general3A_363 {offsets = [0, 2], sizes = [32, 1], strides = [1, 1]} : vector<32x3xf32> to vector<32x1xf32>
    %add3A_387 = vector.broadcast %get3A_32 : f32 to vector<32x1xf32>
    %add3A_388 = arith.addf %slice3A_386, %add3A_387 : vector<32x1xf32>
    %logistic3A_389 = arith.negf %add3A_388 : vector<32x1xf32>
    %logistic3A_390 = math.exp %logistic3A_389 : vector<32x1xf32>
    %logistic3A_391 = arith.constant 1.000000e+00 : f32
    %logistic3A_392 = vector.broadcast %logistic3A_391 : f32 to vector<32x1xf32>
    %logistic3A_393 = arith.addf %logistic3A_392, %logistic3A_390 : vector<32x1xf32>
    %logistic3A_394 = arith.divf %logistic3A_392, %logistic3A_393 : vector<32x1xf32>
    %slice3A_395 = vector.extract_strided_slice %dot_general3A_365 {offsets = [2, 0], sizes = [1, 32], strides = [1, 1]} : vector<3x32xf32> to vector<1x32xf32>
    %add3A_396 = vector.broadcast %get3A_32 : f32 to vector<1x32xf32>
    %add3A_397 = arith.addf %slice3A_395, %add3A_396 : vector<1x32xf32>
    %logistic3A_398 = arith.negf %add3A_397 : vector<1x32xf32>
    %logistic3A_399 = math.exp %logistic3A_398 : vector<1x32xf32>
    %logistic3A_400 = arith.constant 1.000000e+00 : f32
    %logistic3A_401 = vector.broadcast %logistic3A_400 : f32 to vector<1x32xf32>
    %logistic3A_402 = arith.addf %logistic3A_401, %logistic3A_399 : vector<1x32xf32>
    %logistic3A_403 = arith.divf %logistic3A_401, %logistic3A_402 : vector<1x32xf32>
    %max3A_404 = arith.constant 1.000000e-30 : f32
    %max3A_405 = vector.broadcast %max3A_404 : f32 to vector<32x1xf32>
    %max3A_406 = arith.maximumf %logistic3A_394, %max3A_405 : vector<32x1xf32>
    %log3A_407 = math.log %max3A_406 : vector<32x1xf32>
    %max3A_408 = arith.constant 1.000000e-30 : f32
    %max3A_409 = vector.broadcast %max3A_408 : f32 to vector<1x32xf32>
    %max3A_410 = arith.maximumf %logistic3A_403, %max3A_409 : vector<1x32xf32>
    %log3A_411 = math.log %max3A_410 : vector<1x32xf32>
    %dot_general3A_412 = arith.constant dense<0.000000e+00> : vector<1x32xf32>
    %dot_general3A_413 = tpu.matmul %log3A_411, %select_n3A_54, %dot_general3A_412 {dimension_numbers = #tpu.dot_dimension_numbers<[1], [0], [0], [1], [0, 0, 1, 1], [], []>, transpose_lhs_hint = false} : vector<1x32xf32>, vector<32x32xf32>, vector<1x32xf32> -> vector<1x32xf32>
    %dot_general3A_414 = arith.constant dense<0.000000e+00> : vector<32x1xf32>
    %dot_general3A_415 = tpu.matmul %select_n3A, %log3A_407, %dot_general3A_414 {dimension_numbers = #tpu.dot_dimension_numbers<[1], [0], [0], [1], [0, 0, 1, 1], [], []>, transpose_lhs_hint = false} : vector<32x32xf32>, vector<32x1xf32>, vector<32x1xf32> -> vector<32x1xf32>
    %sub3A_416 = vector.broadcast %dot_general3A_415 : vector<32x1xf32> to vector<32x32xf32>
    %sub3A_417 = vector.broadcast %dot_general3A_413 : vector<1x32xf32> to vector<32x32xf32>
    %sub3A_418 = arith.subf %sub3A_416, %sub3A_417 : vector<32x32xf32>
    %jit3A_419 = arith.constant -1.000000e+30 : f32
    %broadcast_in_dim3A_420 = vector.broadcast %jit3A_419 : f32 to vector<32x32xf32>
    %select_n3A_421 = arith.select %lt3A, %sub3A_418, %broadcast_in_dim3A_420 : vector<32x32xi1>, vector<32x32xf32>
    %exp3A_422 = math.exp %select_n3A_421 : vector<32x32xf32>
    %mul3A_423 = vector.broadcast %logistic3A_385 : vector<1x32xf32> to vector<32x32xf32>
    %mul3A_424 = arith.mulf %exp3A_422, %mul3A_423 : vector<32x32xf32>
    %mul3A_425 = vector.broadcast %mul3A_376 : vector<32x1xf32> to vector<32x32xf32>
    %mul3A_426 = arith.mulf %mul3A_424, %mul3A_425 : vector<32x32xf32>
    %get3A_427 = arith.constant 3 : index
    %get3A_428 = arith.constant 0 : index
    %get3A_429 = vector.load %arg0[%get3A_427, %get3A_428] : memref<8x32xi32, #tpu.memory_space<vmem>>, vector<1x32xi32>
    %get3A_430 = arith.constant 3 : index
    %get3A_431 = arith.constant 0 : index
    %get3A_432 = arith.constant 0 : index
    %get3A_433 = vector.load %arg1[%get3A_430, %get3A_431, %get3A_432] : memref<8x32x1xi32, #tpu.memory_space<vmem>>, vector<1x32x1xi32>
    %get3A_434 = vector.shape_cast %get3A_433 : vector<1x32x1xi32> to vector<32x1xi32>
    %eq3A_435 = vector.broadcast %get3A_434 : vector<32x1xi32> to vector<32x32xi32>
    %eq3A_436 = vector.broadcast %get3A_429 : vector<1x32xi32> to vector<32x32xi32>
    %eq3A_437 = arith.cmpi eq, %eq3A_435, %eq3A_436 : vector<32x32xi32>
    %jit3A_438 = arith.constant 1.000000e+00 : f32
    %jit3A_439 = arith.constant 0.000000e+00 : f32
    %broadcast_in_dim3A_440 = vector.broadcast %jit3A_438 : f32 to vector<32x32xf32>
    %broadcast_in_dim3A_441 = vector.broadcast %jit3A_439 : f32 to vector<32x32xf32>
    %select_n3A_442 = arith.select %eq3A_437, %broadcast_in_dim3A_440, %broadcast_in_dim3A_441 : vector<32x32xi1>, vector<32x32xf32>
    %dot_general3A_443 = arith.constant dense<0.000000e+00> : vector<32x32xf32>
    %dot_general3A_444 = tpu.matmul %mul3A_426, %select_n3A_442, %dot_general3A_443 {dimension_numbers = #tpu.dot_dimension_numbers<[1], [1], [0], [0], [0, 0, 1, 0], [], []>, transpose_lhs_hint = false} : vector<32x32xf32>, vector<32x32xf32>, vector<32x32xf32> -> vector<32x32xf32>
    %swap3A_445 = arith.constant 3 : index
    %swap3A_446 = arith.constant 0 : index
    %swap3A_447 = arith.constant 0 : index
    %swap3A_448 = vector.load %arg13[%swap3A_445, %swap3A_446, %swap3A_447] : memref<8x32x32xf32, #tpu.memory_space<vmem>>, vector<1x32x32xf32>
    %swap3A_449 = vector.shape_cast %swap3A_448 : vector<1x32x32xf32> to vector<32x32xf32>
    %swap3A_450 = vector.shape_cast %dot_general3A_444 : vector<32x32xf32> to vector<1x32x32xf32>
    tpu.vector_store %arg13[%swap3A_445, %swap3A_446, %swap3A_447], %swap3A_450 {strides = array<i32>} : memref<8x32x32xf32, #tpu.memory_space<vmem>>, vector<1x32x32xf32>,
    %get3A_451 = arith.constant 4 : index
    %get3A_452 = arith.constant 0 : index
    %get3A_453 = arith.constant 0 : index
    %get3A_454 = vector.load %arg15[%get3A_451, %get3A_452, %get3A_453] : memref<8x32x128xf32, #tpu.memory_space<vmem>>, vector<1x32x128xf32>
    %get3A_455 = vector.shape_cast %get3A_454 : vector<1x32x128xf32> to vector<32x128xf32>
    %dot_general3A_456 = arith.constant dense<0.000000e+00> : vector<32x64xf32>
    %dot_general3A_457 = tpu.matmul %get3A_455, %get3A_38, %dot_general3A_456 {dimension_numbers = #tpu.dot_dimension_numbers<[1], [1], [0], [0], [0, 0, 1, 0], [], []>, transpose_lhs_hint = false} : vector<32x128xf32>, vector<64x128xf32>, vector<32x64xf32> -> vector<32x64xf32>
    %add3A_458 = vector.broadcast %get3A_41 : vector<1x64xf32> to vector<32x64xf32>
    %add3A_459 = arith.addf %dot_general3A_457, %add3A_458 : vector<32x64xf32>
    %swap3A_460 = arith.constant 128 : index
    %swap3A_461 = arith.constant 0 : index
    %swap3A_462 = vector.load %arg12[%swap3A_460, %swap3A_461] : memref<256x64xf32, #tpu.memory_space<vmem>>, vector<32x64xf32>
    tpu.vector_store %arg12[%swap3A_460, %swap3A_461], %add3A_459 {strides = array<i32>} : memref<256x64xf32, #tpu.memory_space<vmem>>, vector<32x64xf32>,
    %dot_general3A_463 = arith.constant dense<0.000000e+00> : vector<32x3xf32>
    %dot_general3A_464 = tpu.matmul %get3A_455, %get3A_44, %dot_general3A_463 {dimension_numbers = #tpu.dot_dimension_numbers<[1], [1], [0], [0], [0, 0, 1, 0], [], []>, transpose_lhs_hint = false} : vector<32x128xf32>, vector<3x128xf32>, vector<32x3xf32> -> vector<32x3xf32>
    %dot_general3A_465 = arith.constant dense<0.000000e+00> : vector<3x32xf32>
    %dot_general3A_466 = tpu.matmul %get3A_44, %get3A_455, %dot_general3A_465 {dimension_numbers = #tpu.dot_dimension_numbers<[1], [1], [0], [0], [0, 0, 1, 0], [], []>, transpose_lhs_hint = false} : vector<3x128xf32>, vector<32x128xf32>, vector<3x32xf32> -> vector<3x32xf32>
    %slice3A_467 = vector.extract_strided_slice %dot_general3A_464 {offsets = [0, 0], sizes = [32, 1], strides = [1, 1]} : vector<32x3xf32> to vector<32x1xf32>
    %add3A_468 = vector.broadcast %get3A_26 : f32 to vector<32x1xf32>
    %add3A_469 = arith.addf %slice3A_467, %add3A_468 : vector<32x1xf32>
    %logistic3A_470 = arith.negf %add3A_469 : vector<32x1xf32>
    %logistic3A_471 = math.exp %logistic3A_470 : vector<32x1xf32>
    %logistic3A_472 = arith.constant 1.000000e+00 : f32
    %logistic3A_473 = vector.broadcast %logistic3A_472 : f32 to vector<32x1xf32>
    %logistic3A_474 = arith.addf %logistic3A_473, %logistic3A_471 : vector<32x1xf32>
    %logistic3A_475 = arith.divf %logistic3A_473, %logistic3A_474 : vector<32x1xf32>
    %mul3A_476 = vector.broadcast %get3A_35 : f32 to vector<32x1xf32>
    %mul3A_477 = arith.mulf %logistic3A_475, %mul3A_476 : vector<32x1xf32>
    %slice3A_478 = vector.extract_strided_slice %dot_general3A_466 {offsets = [1, 0], sizes = [1, 32], strides = [1, 1]} : vector<3x32xf32> to vector<1x32xf32>
    %add3A_479 = vector.broadcast %get3A_29 : f32 to vector<1x32xf32>
    %add3A_480 = arith.addf %slice3A_478, %add3A_479 : vector<1x32xf32>
    %logistic3A_481 = arith.negf %add3A_480 : vector<1x32xf32>
    %logistic3A_482 = math.exp %logistic3A_481 : vector<1x32xf32>
    %logistic3A_483 = arith.constant 1.000000e+00 : f32
    %logistic3A_484 = vector.broadcast %logistic3A_483 : f32 to vector<1x32xf32>
    %logistic3A_485 = arith.addf %logistic3A_484, %logistic3A_482 : vector<1x32xf32>
    %logistic3A_486 = arith.divf %logistic3A_484, %logistic3A_485 : vector<1x32xf32>
    %slice3A_487 = vector.extract_strided_slice %dot_general3A_464 {offsets = [0, 2], sizes = [32, 1], strides = [1, 1]} : vector<32x3xf32> to vector<32x1xf32>
    %add3A_488 = vector.broadcast %get3A_32 : f32 to vector<32x1xf32>
    %add3A_489 = arith.addf %slice3A_487, %add3A_488 : vector<32x1xf32>
    %logistic3A_490 = arith.negf %add3A_489 : vector<32x1xf32>
    %logistic3A_491 = math.exp %logistic3A_490 : vector<32x1xf32>
    %logistic3A_492 = arith.constant 1.000000e+00 : f32
    %logistic3A_493 = vector.broadcast %logistic3A_492 : f32 to vector<32x1xf32>
    %logistic3A_494 = arith.addf %logistic3A_493, %logistic3A_491 : vector<32x1xf32>
    %logistic3A_495 = arith.divf %logistic3A_493, %logistic3A_494 : vector<32x1xf32>
    %slice3A_496 = vector.extract_strided_slice %dot_general3A_466 {offsets = [2, 0], sizes = [1, 32], strides = [1, 1]} : vector<3x32xf32> to vector<1x32xf32>
    %add3A_497 = vector.broadcast %get3A_32 : f32 to vector<1x32xf32>
    %add3A_498 = arith.addf %slice3A_496, %add3A_497 : vector<1x32xf32>
    %logistic3A_499 = arith.negf %add3A_498 : vector<1x32xf32>
    %logistic3A_500 = math.exp %logistic3A_499 : vector<1x32xf32>
    %logistic3A_501 = arith.constant 1.000000e+00 : f32
    %logistic3A_502 = vector.broadcast %logistic3A_501 : f32 to vector<1x32xf32>
    %logistic3A_503 = arith.addf %logistic3A_502, %logistic3A_500 : vector<1x32xf32>
    %logistic3A_504 = arith.divf %logistic3A_502, %logistic3A_503 : vector<1x32xf32>
    %max3A_505 = arith.constant 1.000000e-30 : f32
    %max3A_506 = vector.broadcast %max3A_505 : f32 to vector<32x1xf32>
    %max3A_507 = arith.maximumf %logistic3A_495, %max3A_506 : vector<32x1xf32>
    %log3A_508 = math.log %max3A_507 : vector<32x1xf32>
    %max3A_509 = arith.constant 1.000000e-30 : f32
    %max3A_510 = vector.broadcast %max3A_509 : f32 to vector<1x32xf32>
    %max3A_511 = arith.maximumf %logistic3A_504, %max3A_510 : vector<1x32xf32>
    %log3A_512 = math.log %max3A_511 : vector<1x32xf32>
    %dot_general3A_513 = arith.constant dense<0.000000e+00> : vector<1x32xf32>
    %dot_general3A_514 = tpu.matmul %log3A_512, %select_n3A_54, %dot_general3A_513 {dimension_numbers = #tpu.dot_dimension_numbers<[1], [0], [0], [1], [0, 0, 1, 1], [], []>, transpose_lhs_hint = false} : vector<1x32xf32>, vector<32x32xf32>, vector<1x32xf32> -> vector<1x32xf32>
    %dot_general3A_515 = arith.constant dense<0.000000e+00> : vector<32x1xf32>
    %dot_general3A_516 = tpu.matmul %select_n3A, %log3A_508, %dot_general3A_515 {dimension_numbers = #tpu.dot_dimension_numbers<[1], [0], [0], [1], [0, 0, 1, 1], [], []>, transpose_lhs_hint = false} : vector<32x32xf32>, vector<32x1xf32>, vector<32x1xf32> -> vector<32x1xf32>
    %sub3A_517 = vector.broadcast %dot_general3A_516 : vector<32x1xf32> to vector<32x32xf32>
    %sub3A_518 = vector.broadcast %dot_general3A_514 : vector<1x32xf32> to vector<32x32xf32>
    %sub3A_519 = arith.subf %sub3A_517, %sub3A_518 : vector<32x32xf32>
    %jit3A_520 = arith.constant -1.000000e+30 : f32
    %broadcast_in_dim3A_521 = vector.broadcast %jit3A_520 : f32 to vector<32x32xf32>
    %select_n3A_522 = arith.select %lt3A, %sub3A_519, %broadcast_in_dim3A_521 : vector<32x32xi1>, vector<32x32xf32>
    %exp3A_523 = math.exp %select_n3A_522 : vector<32x32xf32>
    %mul3A_524 = vector.broadcast %logistic3A_486 : vector<1x32xf32> to vector<32x32xf32>
    %mul3A_525 = arith.mulf %exp3A_523, %mul3A_524 : vector<32x32xf32>
    %mul3A_526 = vector.broadcast %mul3A_477 : vector<32x1xf32> to vector<32x32xf32>
    %mul3A_527 = arith.mulf %mul3A_525, %mul3A_526 : vector<32x32xf32>
    %get3A_528 = arith.constant 4 : index
    %get3A_529 = arith.constant 0 : index
    %get3A_530 = vector.load %arg0[%get3A_528, %get3A_529] : memref<8x32xi32, #tpu.memory_space<vmem>>, vector<1x32xi32>
    %get3A_531 = arith.constant 4 : index
    %get3A_532 = arith.constant 0 : index
    %get3A_533 = arith.constant 0 : index
    %get3A_534 = vector.load %arg1[%get3A_531, %get3A_532, %get3A_533] : memref<8x32x1xi32, #tpu.memory_space<vmem>>, vector<1x32x1xi32>
    %get3A_535 = vector.shape_cast %get3A_534 : vector<1x32x1xi32> to vector<32x1xi32>
    %eq3A_536 = vector.broadcast %get3A_535 : vector<32x1xi32> to vector<32x32xi32>
    %eq3A_537 = vector.broadcast %get3A_530 : vector<1x32xi32> to vector<32x32xi32>
    %eq3A_538 = arith.cmpi eq, %eq3A_536, %eq3A_537 : vector<32x32xi32>
    %jit3A_539 = arith.constant 1.000000e+00 : f32
    %jit3A_540 = arith.constant 0.000000e+00 : f32
    %broadcast_in_dim3A_541 = vector.broadcast %jit3A_539 : f32 to vector<32x32xf32>
    %broadcast_in_dim3A_542 = vector.broadcast %jit3A_540 : f32 to vector<32x32xf32>
    %select_n3A_543 = arith.select %eq3A_538, %broadcast_in_dim3A_541, %broadcast_in_dim3A_542 : vector<32x32xi1>, vector<32x32xf32>
    %dot_general3A_544 = arith.constant dense<0.000000e+00> : vector<32x32xf32>
    %dot_general3A_545 = tpu.matmul %mul3A_527, %select_n3A_543, %dot_general3A_544 {dimension_numbers = #tpu.dot_dimension_numbers<[1], [1], [0], [0], [0, 0, 1, 0], [], []>, transpose_lhs_hint = false} : vector<32x32xf32>, vector<32x32xf32>, vector<32x32xf32> -> vector<32x32xf32>
    %swap3A_546 = arith.constant 4 : index
    %swap3A_547 = arith.constant 0 : index
    %swap3A_548 = arith.constant 0 : index
    %swap3A_549 = vector.load %arg13[%swap3A_546, %swap3A_547, %swap3A_548] : memref<8x32x32xf32, #tpu.memory_space<vmem>>, vector<1x32x32xf32>
    %swap3A_550 = vector.shape_cast %swap3A_549 : vector<1x32x32xf32> to vector<32x32xf32>
    %swap3A_551 = vector.shape_cast %dot_general3A_545 : vector<32x32xf32> to vector<1x32x32xf32>
    tpu.vector_store %arg13[%swap3A_546, %swap3A_547, %swap3A_548], %swap3A_551 {strides = array<i32>} : memref<8x32x32xf32, #tpu.memory_space<vmem>>, vector<1x32x32xf32>,
    %get3A_552 = arith.constant 5 : index
    %get3A_553 = arith.constant 0 : index
    %get3A_554 = arith.constant 0 : index
    %get3A_555 = vector.load %arg15[%get3A_552, %get3A_553, %get3A_554] : memref<8x32x128xf32, #tpu.memory_space<vmem>>, vector<1x32x128xf32>
    %get3A_556 = vector.shape_cast %get3A_555 : vector<1x32x128xf32> to vector<32x128xf32>
    %dot_general3A_557 = arith.constant dense<0.000000e+00> : vector<32x64xf32>
    %dot_general3A_558 = tpu.matmul %get3A_556, %get3A_38, %dot_general3A_557 {dimension_numbers = #tpu.dot_dimension_numbers<[1], [1], [0], [0], [0, 0, 1, 0], [], []>, transpose_lhs_hint = false} : vector<32x128xf32>, vector<64x128xf32>, vector<32x64xf32> -> vector<32x64xf32>
    %add3A_559 = vector.broadcast %get3A_41 : vector<1x64xf32> to vector<32x64xf32>
    %add3A_560 = arith.addf %dot_general3A_558, %add3A_559 : vector<32x64xf32>
    %swap3A_561 = arith.constant 160 : index
    %swap3A_562 = arith.constant 0 : index
    %swap3A_563 = vector.load %arg12[%swap3A_561, %swap3A_562] : memref<256x64xf32, #tpu.memory_space<vmem>>, vector<32x64xf32>
    tpu.vector_store %arg12[%swap3A_561, %swap3A_562], %add3A_560 {strides = array<i32>} : memref<256x64xf32, #tpu.memory_space<vmem>>, vector<32x64xf32>,
    %dot_general3A_564 = arith.constant dense<0.000000e+00> : vector<32x3xf32>
    %dot_general3A_565 = tpu.matmul %get3A_556, %get3A_44, %dot_general3A_564 {dimension_numbers = #tpu.dot_dimension_numbers<[1], [1], [0], [0], [0, 0, 1, 0], [], []>, transpose_lhs_hint = false} : vector<32x128xf32>, vector<3x128xf32>, vector<32x3xf32> -> vector<32x3xf32>
    %dot_general3A_566 = arith.constant dense<0.000000e+00> : vector<3x32xf32>
    %dot_general3A_567 = tpu.matmul %get3A_44, %get3A_556, %dot_general3A_566 {dimension_numbers = #tpu.dot_dimension_numbers<[1], [1], [0], [0], [0, 0, 1, 0], [], []>, transpose_lhs_hint = false} : vector<3x128xf32>, vector<32x128xf32>, vector<3x32xf32> -> vector<3x32xf32>
    %slice3A_568 = vector.extract_strided_slice %dot_general3A_565 {offsets = [0, 0], sizes = [32, 1], strides = [1, 1]} : vector<32x3xf32> to vector<32x1xf32>
    %add3A_569 = vector.broadcast %get3A_26 : f32 to vector<32x1xf32>
    %add3A_570 = arith.addf %slice3A_568, %add3A_569 : vector<32x1xf32>
    %logistic3A_571 = arith.negf %add3A_570 : vector<32x1xf32>
    %logistic3A_572 = math.exp %logistic3A_571 : vector<32x1xf32>
    %logistic3A_573 = arith.constant 1.000000e+00 : f32
    %logistic3A_574 = vector.broadcast %logistic3A_573 : f32 to vector<32x1xf32>
    %logistic3A_575 = arith.addf %logistic3A_574, %logistic3A_572 : vector<32x1xf32>
    %logistic3A_576 = arith.divf %logistic3A_574, %logistic3A_575 : vector<32x1xf32>
    %mul3A_577 = vector.broadcast %get3A_35 : f32 to vector<32x1xf32>
    %mul3A_578 = arith.mulf %logistic3A_576, %mul3A_577 : vector<32x1xf32>
    %slice3A_579 = vector.extract_strided_slice %dot_general3A_567 {offsets = [1, 0], sizes = [1, 32], strides = [1, 1]} : vector<3x32xf32> to vector<1x32xf32>
    %add3A_580 = vector.broadcast %get3A_29 : f32 to vector<1x32xf32>
    %add3A_581 = arith.addf %slice3A_579, %add3A_580 : vector<1x32xf32>
    %logistic3A_582 = arith.negf %add3A_581 : vector<1x32xf32>
    %logistic3A_583 = math.exp %logistic3A_582 : vector<1x32xf32>
    %logistic3A_584 = arith.constant 1.000000e+00 : f32
    %logistic3A_585 = vector.broadcast %logistic3A_584 : f32 to vector<1x32xf32>
    %logistic3A_586 = arith.addf %logistic3A_585, %logistic3A_583 : vector<1x32xf32>
    %logistic3A_587 = arith.divf %logistic3A_585, %logistic3A_586 : vector<1x32xf32>
    %slice3A_588 = vector.extract_strided_slice %dot_general3A_565 {offsets = [0, 2], sizes = [32, 1], strides = [1, 1]} : vector<32x3xf32> to vector<32x1xf32>
    %add3A_589 = vector.broadcast %get3A_32 : f32 to vector<32x1xf32>
    %add3A_590 = arith.addf %slice3A_588, %add3A_589 : vector<32x1xf32>
    %logistic3A_591 = arith.negf %add3A_590 : vector<32x1xf32>
    %logistic3A_592 = math.exp %logistic3A_591 : vector<32x1xf32>
    %logistic3A_593 = arith.constant 1.000000e+00 : f32
    %logistic3A_594 = vector.broadcast %logistic3A_593 : f32 to vector<32x1xf32>
    %logistic3A_595 = arith.addf %logistic3A_594, %logistic3A_592 : vector<32x1xf32>
    %logistic3A_596 = arith.divf %logistic3A_594, %logistic3A_595 : vector<32x1xf32>
    %slice3A_597 = vector.extract_strided_slice %dot_general3A_567 {offsets = [2, 0], sizes = [1, 32], strides = [1, 1]} : vector<3x32xf32> to vector<1x32xf32>
    %add3A_598 = vector.broadcast %get3A_32 : f32 to vector<1x32xf32>
    %add3A_599 = arith.addf %slice3A_597, %add3A_598 : vector<1x32xf32>
    %logistic3A_600 = arith.negf %add3A_599 : vector<1x32xf32>
    %logistic3A_601 = math.exp %logistic3A_600 : vector<1x32xf32>
    %logistic3A_602 = arith.constant 1.000000e+00 : f32
    %logistic3A_603 = vector.broadcast %logistic3A_602 : f32 to vector<1x32xf32>
    %logistic3A_604 = arith.addf %logistic3A_603, %logistic3A_601 : vector<1x32xf32>
    %logistic3A_605 = arith.divf %logistic3A_603, %logistic3A_604 : vector<1x32xf32>
    %max3A_606 = arith.constant 1.000000e-30 : f32
    %max3A_607 = vector.broadcast %max3A_606 : f32 to vector<32x1xf32>
    %max3A_608 = arith.maximumf %logistic3A_596, %max3A_607 : vector<32x1xf32>
    %log3A_609 = math.log %max3A_608 : vector<32x1xf32>
    %max3A_610 = arith.constant 1.000000e-30 : f32
    %max3A_611 = vector.broadcast %max3A_610 : f32 to vector<1x32xf32>
    %max3A_612 = arith.maximumf %logistic3A_605, %max3A_611 : vector<1x32xf32>
    %log3A_613 = math.log %max3A_612 : vector<1x32xf32>
    %dot_general3A_614 = arith.constant dense<0.000000e+00> : vector<1x32xf32>
    %dot_general3A_615 = tpu.matmul %log3A_613, %select_n3A_54, %dot_general3A_614 {dimension_numbers = #tpu.dot_dimension_numbers<[1], [0], [0], [1], [0, 0, 1, 1], [], []>, transpose_lhs_hint = false} : vector<1x32xf32>, vector<32x32xf32>, vector<1x32xf32> -> vector<1x32xf32>
    %dot_general3A_616 = arith.constant dense<0.000000e+00> : vector<32x1xf32>
    %dot_general3A_617 = tpu.matmul %select_n3A, %log3A_609, %dot_general3A_616 {dimension_numbers = #tpu.dot_dimension_numbers<[1], [0], [0], [1], [0, 0, 1, 1], [], []>, transpose_lhs_hint = false} : vector<32x32xf32>, vector<32x1xf32>, vector<32x1xf32> -> vector<32x1xf32>
    %sub3A_618 = vector.broadcast %dot_general3A_617 : vector<32x1xf32> to vector<32x32xf32>
    %sub3A_619 = vector.broadcast %dot_general3A_615 : vector<1x32xf32> to vector<32x32xf32>
    %sub3A_620 = arith.subf %sub3A_618, %sub3A_619 : vector<32x32xf32>
    %jit3A_621 = arith.constant -1.000000e+30 : f32
    %broadcast_in_dim3A_622 = vector.broadcast %jit3A_621 : f32 to vector<32x32xf32>
    %select_n3A_623 = arith.select %lt3A, %sub3A_620, %broadcast_in_dim3A_622 : vector<32x32xi1>, vector<32x32xf32>
    %exp3A_624 = math.exp %select_n3A_623 : vector<32x32xf32>
    %mul3A_625 = vector.broadcast %logistic3A_587 : vector<1x32xf32> to vector<32x32xf32>
    %mul3A_626 = arith.mulf %exp3A_624, %mul3A_625 : vector<32x32xf32>
    %mul3A_627 = vector.broadcast %mul3A_578 : vector<32x1xf32> to vector<32x32xf32>
    %mul3A_628 = arith.mulf %mul3A_626, %mul3A_627 : vector<32x32xf32>
    %get3A_629 = arith.constant 5 : index
    %get3A_630 = arith.constant 0 : index
    %get3A_631 = vector.load %arg0[%get3A_629, %get3A_630] : memref<8x32xi32, #tpu.memory_space<vmem>>, vector<1x32xi32>
    %get3A_632 = arith.constant 5 : index
    %get3A_633 = arith.constant 0 : index
    %get3A_634 = arith.constant 0 : index
    %get3A_635 = vector.load %arg1[%get3A_632, %get3A_633, %get3A_634] : memref<8x32x1xi32, #tpu.memory_space<vmem>>, vector<1x32x1xi32>
    %get3A_636 = vector.shape_cast %get3A_635 : vector<1x32x1xi32> to vector<32x1xi32>
    %eq3A_637 = vector.broadcast %get3A_636 : vector<32x1xi32> to vector<32x32xi32>
    %eq3A_638 = vector.broadcast %get3A_631 : vector<1x32xi32> to vector<32x32xi32>
    %eq3A_639 = arith.cmpi eq, %eq3A_637, %eq3A_638 : vector<32x32xi32>
    %jit3A_640 = arith.constant 1.000000e+00 : f32
    %jit3A_641 = arith.constant 0.000000e+00 : f32
    %broadcast_in_dim3A_642 = vector.broadcast %jit3A_640 : f32 to vector<32x32xf32>
    %broadcast_in_dim3A_643 = vector.broadcast %jit3A_641 : f32 to vector<32x32xf32>
    %select_n3A_644 = arith.select %eq3A_639, %broadcast_in_dim3A_642, %broadcast_in_dim3A_643 : vector<32x32xi1>, vector<32x32xf32>
    %dot_general3A_645 = arith.constant dense<0.000000e+00> : vector<32x32xf32>
    %dot_general3A_646 = tpu.matmul %mul3A_628, %select_n3A_644, %dot_general3A_645 {dimension_numbers = #tpu.dot_dimension_numbers<[1], [1], [0], [0], [0, 0, 1, 0], [], []>, transpose_lhs_hint = false} : vector<32x32xf32>, vector<32x32xf32>, vector<32x32xf32> -> vector<32x32xf32>
    %swap3A_647 = arith.constant 5 : index
    %swap3A_648 = arith.constant 0 : index
    %swap3A_649 = arith.constant 0 : index
    %swap3A_650 = vector.load %arg13[%swap3A_647, %swap3A_648, %swap3A_649] : memref<8x32x32xf32, #tpu.memory_space<vmem>>, vector<1x32x32xf32>
    %swap3A_651 = vector.shape_cast %swap3A_650 : vector<1x32x32xf32> to vector<32x32xf32>
    %swap3A_652 = vector.shape_cast %dot_general3A_646 : vector<32x32xf32> to vector<1x32x32xf32>
    tpu.vector_store %arg13[%swap3A_647, %swap3A_648, %swap3A_649], %swap3A_652 {strides = array<i32>} : memref<8x32x32xf32, #tpu.memory_space<vmem>>, vector<1x32x32xf32>,
    %get3A_653 = arith.constant 6 : index
    %get3A_654 = arith.constant 0 : index
    %get3A_655 = arith.constant 0 : index
    %get3A_656 = vector.load %arg15[%get3A_653, %get3A_654, %get3A_655] : memref<8x32x128xf32, #tpu.memory_space<vmem>>, vector<1x32x128xf32>
    %get3A_657 = vector.shape_cast %get3A_656 : vector<1x32x128xf32> to vector<32x128xf32>
    %dot_general3A_658 = arith.constant dense<0.000000e+00> : vector<32x64xf32>
    %dot_general3A_659 = tpu.matmul %get3A_657, %get3A_38, %dot_general3A_658 {dimension_numbers = #tpu.dot_dimension_numbers<[1], [1], [0], [0], [0, 0, 1, 0], [], []>, transpose_lhs_hint = false} : vector<32x128xf32>, vector<64x128xf32>, vector<32x64xf32> -> vector<32x64xf32>
    %add3A_660 = vector.broadcast %get3A_41 : vector<1x64xf32> to vector<32x64xf32>
    %add3A_661 = arith.addf %dot_general3A_659, %add3A_660 : vector<32x64xf32>
    %swap3A_662 = arith.constant 192 : index
    %swap3A_663 = arith.constant 0 : index
    %swap3A_664 = vector.load %arg12[%swap3A_662, %swap3A_663] : memref<256x64xf32, #tpu.memory_space<vmem>>, vector<32x64xf32>
    tpu.vector_store %arg12[%swap3A_662, %swap3A_663], %add3A_661 {strides = array<i32>} : memref<256x64xf32, #tpu.memory_space<vmem>>, vector<32x64xf32>,
    %dot_general3A_665 = arith.constant dense<0.000000e+00> : vector<32x3xf32>
    %dot_general3A_666 = tpu.matmul %get3A_657, %get3A_44, %dot_general3A_665 {dimension_numbers = #tpu.dot_dimension_numbers<[1], [1], [0], [0], [0, 0, 1, 0], [], []>, transpose_lhs_hint = false} : vector<32x128xf32>, vector<3x128xf32>, vector<32x3xf32> -> vector<32x3xf32>
    %dot_general3A_667 = arith.constant dense<0.000000e+00> : vector<3x32xf32>
    %dot_general3A_668 = tpu.matmul %get3A_44, %get3A_657, %dot_general3A_667 {dimension_numbers = #tpu.dot_dimension_numbers<[1], [1], [0], [0], [0, 0, 1, 0], [], []>, transpose_lhs_hint = false} : vector<3x128xf32>, vector<32x128xf32>, vector<3x32xf32> -> vector<3x32xf32>
    %slice3A_669 = vector.extract_strided_slice %dot_general3A_666 {offsets = [0, 0], sizes = [32, 1], strides = [1, 1]} : vector<32x3xf32> to vector<32x1xf32>
    %add3A_670 = vector.broadcast %get3A_26 : f32 to vector<32x1xf32>
    %add3A_671 = arith.addf %slice3A_669, %add3A_670 : vector<32x1xf32>
    %logistic3A_672 = arith.negf %add3A_671 : vector<32x1xf32>
    %logistic3A_673 = math.exp %logistic3A_672 : vector<32x1xf32>
    %logistic3A_674 = arith.constant 1.000000e+00 : f32
    %logistic3A_675 = vector.broadcast %logistic3A_674 : f32 to vector<32x1xf32>
    %logistic3A_676 = arith.addf %logistic3A_675, %logistic3A_673 : vector<32x1xf32>
    %logistic3A_677 = arith.divf %logistic3A_675, %logistic3A_676 : vector<32x1xf32>
    %mul3A_678 = vector.broadcast %get3A_35 : f32 to vector<32x1xf32>
    %mul3A_679 = arith.mulf %logistic3A_677, %mul3A_678 : vector<32x1xf32>
    %slice3A_680 = vector.extract_strided_slice %dot_general3A_668 {offsets = [1, 0], sizes = [1, 32], strides = [1, 1]} : vector<3x32xf32> to vector<1x32xf32>
    %add3A_681 = vector.broadcast %get3A_29 : f32 to vector<1x32xf32>
    %add3A_682 = arith.addf %slice3A_680, %add3A_681 : vector<1x32xf32>
    %logistic3A_683 = arith.negf %add3A_682 : vector<1x32xf32>
    %logistic3A_684 = math.exp %logistic3A_683 : vector<1x32xf32>
    %logistic3A_685 = arith.constant 1.000000e+00 : f32
    %logistic3A_686 = vector.broadcast %logistic3A_685 : f32 to vector<1x32xf32>
    %logistic3A_687 = arith.addf %logistic3A_686, %logistic3A_684 : vector<1x32xf32>
    %logistic3A_688 = arith.divf %logistic3A_686, %logistic3A_687 : vector<1x32xf32>
    %slice3A_689 = vector.extract_strided_slice %dot_general3A_666 {offsets = [0, 2], sizes = [32, 1], strides = [1, 1]} : vector<32x3xf32> to vector<32x1xf32>
    %add3A_690 = vector.broadcast %get3A_32 : f32 to vector<32x1xf32>
    %add3A_691 = arith.addf %slice3A_689, %add3A_690 : vector<32x1xf32>
    %logistic3A_692 = arith.negf %add3A_691 : vector<32x1xf32>
    %logistic3A_693 = math.exp %logistic3A_692 : vector<32x1xf32>
    %logistic3A_694 = arith.constant 1.000000e+00 : f32
    %logistic3A_695 = vector.broadcast %logistic3A_694 : f32 to vector<32x1xf32>
    %logistic3A_696 = arith.addf %logistic3A_695, %logistic3A_693 : vector<32x1xf32>
    %logistic3A_697 = arith.divf %logistic3A_695, %logistic3A_696 : vector<32x1xf32>
    %slice3A_698 = vector.extract_strided_slice %dot_general3A_668 {offsets = [2, 0], sizes = [1, 32], strides = [1, 1]} : vector<3x32xf32> to vector<1x32xf32>
    %add3A_699 = vector.broadcast %get3A_32 : f32 to vector<1x32xf32>
    %add3A_700 = arith.addf %slice3A_698, %add3A_699 : vector<1x32xf32>
    %logistic3A_701 = arith.negf %add3A_700 : vector<1x32xf32>
    %logistic3A_702 = math.exp %logistic3A_701 : vector<1x32xf32>
    %logistic3A_703 = arith.constant 1.000000e+00 : f32
    %logistic3A_704 = vector.broadcast %logistic3A_703 : f32 to vector<1x32xf32>
    %logistic3A_705 = arith.addf %logistic3A_704, %logistic3A_702 : vector<1x32xf32>
    %logistic3A_706 = arith.divf %logistic3A_704, %logistic3A_705 : vector<1x32xf32>
    %max3A_707 = arith.constant 1.000000e-30 : f32
    %max3A_708 = vector.broadcast %max3A_707 : f32 to vector<32x1xf32>
    %max3A_709 = arith.maximumf %logistic3A_697, %max3A_708 : vector<32x1xf32>
    %log3A_710 = math.log %max3A_709 : vector<32x1xf32>
    %max3A_711 = arith.constant 1.000000e-30 : f32
    %max3A_712 = vector.broadcast %max3A_711 : f32 to vector<1x32xf32>
    %max3A_713 = arith.maximumf %logistic3A_706, %max3A_712 : vector<1x32xf32>
    %log3A_714 = math.log %max3A_713 : vector<1x32xf32>
    %dot_general3A_715 = arith.constant dense<0.000000e+00> : vector<1x32xf32>
    %dot_general3A_716 = tpu.matmul %log3A_714, %select_n3A_54, %dot_general3A_715 {dimension_numbers = #tpu.dot_dimension_numbers<[1], [0], [0], [1], [0, 0, 1, 1], [], []>, transpose_lhs_hint = false} : vector<1x32xf32>, vector<32x32xf32>, vector<1x32xf32> -> vector<1x32xf32>
    %dot_general3A_717 = arith.constant dense<0.000000e+00> : vector<32x1xf32>
    %dot_general3A_718 = tpu.matmul %select_n3A, %log3A_710, %dot_general3A_717 {dimension_numbers = #tpu.dot_dimension_numbers<[1], [0], [0], [1], [0, 0, 1, 1], [], []>, transpose_lhs_hint = false} : vector<32x32xf32>, vector<32x1xf32>, vector<32x1xf32> -> vector<32x1xf32>
    %sub3A_719 = vector.broadcast %dot_general3A_718 : vector<32x1xf32> to vector<32x32xf32>
    %sub3A_720 = vector.broadcast %dot_general3A_716 : vector<1x32xf32> to vector<32x32xf32>
    %sub3A_721 = arith.subf %sub3A_719, %sub3A_720 : vector<32x32xf32>
    %jit3A_722 = arith.constant -1.000000e+30 : f32
    %broadcast_in_dim3A_723 = vector.broadcast %jit3A_722 : f32 to vector<32x32xf32>
    %select_n3A_724 = arith.select %lt3A, %sub3A_721, %broadcast_in_dim3A_723 : vector<32x32xi1>, vector<32x32xf32>
    %exp3A_725 = math.exp %select_n3A_724 : vector<32x32xf32>
    %mul3A_726 = vector.broadcast %logistic3A_688 : vector<1x32xf32> to vector<32x32xf32>
    %mul3A_727 = arith.mulf %exp3A_725, %mul3A_726 : vector<32x32xf32>
    %mul3A_728 = vector.broadcast %mul3A_679 : vector<32x1xf32> to vector<32x32xf32>
    %mul3A_729 = arith.mulf %mul3A_727, %mul3A_728 : vector<32x32xf32>
    %get3A_730 = arith.constant 6 : index
    %get3A_731 = arith.constant 0 : index
    %get3A_732 = vector.load %arg0[%get3A_730, %get3A_731] : memref<8x32xi32, #tpu.memory_space<vmem>>, vector<1x32xi32>
    %get3A_733 = arith.constant 6 : index
    %get3A_734 = arith.constant 0 : index
    %get3A_735 = arith.constant 0 : index
    %get3A_736 = vector.load %arg1[%get3A_733, %get3A_734, %get3A_735] : memref<8x32x1xi32, #tpu.memory_space<vmem>>, vector<1x32x1xi32>
    %get3A_737 = vector.shape_cast %get3A_736 : vector<1x32x1xi32> to vector<32x1xi32>
    %eq3A_738 = vector.broadcast %get3A_737 : vector<32x1xi32> to vector<32x32xi32>
    %eq3A_739 = vector.broadcast %get3A_732 : vector<1x32xi32> to vector<32x32xi32>
    %eq3A_740 = arith.cmpi eq, %eq3A_738, %eq3A_739 : vector<32x32xi32>
    %jit3A_741 = arith.constant 1.000000e+00 : f32
    %jit3A_742 = arith.constant 0.000000e+00 : f32
    %broadcast_in_dim3A_743 = vector.broadcast %jit3A_741 : f32 to vector<32x32xf32>
    %broadcast_in_dim3A_744 = vector.broadcast %jit3A_742 : f32 to vector<32x32xf32>
    %select_n3A_745 = arith.select %eq3A_740, %broadcast_in_dim3A_743, %broadcast_in_dim3A_744 : vector<32x32xi1>, vector<32x32xf32>
    %dot_general3A_746 = arith.constant dense<0.000000e+00> : vector<32x32xf32>
    %dot_general3A_747 = tpu.matmul %mul3A_729, %select_n3A_745, %dot_general3A_746 {dimension_numbers = #tpu.dot_dimension_numbers<[1], [1], [0], [0], [0, 0, 1, 0], [], []>, transpose_lhs_hint = false} : vector<32x32xf32>, vector<32x32xf32>, vector<32x32xf32> -> vector<32x32xf32>
    %swap3A_748 = arith.constant 6 : index
    %swap3A_749 = arith.constant 0 : index
    %swap3A_750 = arith.constant 0 : index
    %swap3A_751 = vector.load %arg13[%swap3A_748, %swap3A_749, %swap3A_750] : memref<8x32x32xf32, #tpu.memory_space<vmem>>, vector<1x32x32xf32>
    %swap3A_752 = vector.shape_cast %swap3A_751 : vector<1x32x32xf32> to vector<32x32xf32>
    %swap3A_753 = vector.shape_cast %dot_general3A_747 : vector<32x32xf32> to vector<1x32x32xf32>
    tpu.vector_store %arg13[%swap3A_748, %swap3A_749, %swap3A_750], %swap3A_753 {strides = array<i32>} : memref<8x32x32xf32, #tpu.memory_space<vmem>>, vector<1x32x32xf32>,
    %get3A_754 = arith.constant 7 : index
    %get3A_755 = arith.constant 0 : index
    %get3A_756 = arith.constant 0 : index
    %get3A_757 = vector.load %arg15[%get3A_754, %get3A_755, %get3A_756] : memref<8x32x128xf32, #tpu.memory_space<vmem>>, vector<1x32x128xf32>
    %get3A_758 = vector.shape_cast %get3A_757 : vector<1x32x128xf32> to vector<32x128xf32>
    %dot_general3A_759 = arith.constant dense<0.000000e+00> : vector<32x64xf32>
    %dot_general3A_760 = tpu.matmul %get3A_758, %get3A_38, %dot_general3A_759 {dimension_numbers = #tpu.dot_dimension_numbers<[1], [1], [0], [0], [0, 0, 1, 0], [], []>, transpose_lhs_hint = false} : vector<32x128xf32>, vector<64x128xf32>, vector<32x64xf32> -> vector<32x64xf32>
    %add3A_761 = vector.broadcast %get3A_41 : vector<1x64xf32> to vector<32x64xf32>
    %add3A_762 = arith.addf %dot_general3A_760, %add3A_761 : vector<32x64xf32>
    %swap3A_763 = arith.constant 224 : index
    %swap3A_764 = arith.constant 0 : index
    %swap3A_765 = vector.load %arg12[%swap3A_763, %swap3A_764] : memref<256x64xf32, #tpu.memory_space<vmem>>, vector<32x64xf32>
    tpu.vector_store %arg12[%swap3A_763, %swap3A_764], %add3A_762 {strides = array<i32>} : memref<256x64xf32, #tpu.memory_space<vmem>>, vector<32x64xf32>,
    %dot_general3A_766 = arith.constant dense<0.000000e+00> : vector<32x3xf32>
    %dot_general3A_767 = tpu.matmul %get3A_758, %get3A_44, %dot_general3A_766 {dimension_numbers = #tpu.dot_dimension_numbers<[1], [1], [0], [0], [0, 0, 1, 0], [], []>, transpose_lhs_hint = false} : vector<32x128xf32>, vector<3x128xf32>, vector<32x3xf32> -> vector<32x3xf32>
    %dot_general3A_768 = arith.constant dense<0.000000e+00> : vector<3x32xf32>
    %dot_general3A_769 = tpu.matmul %get3A_44, %get3A_758, %dot_general3A_768 {dimension_numbers = #tpu.dot_dimension_numbers<[1], [1], [0], [0], [0, 0, 1, 0], [], []>, transpose_lhs_hint = false} : vector<3x128xf32>, vector<32x128xf32>, vector<3x32xf32> -> vector<3x32xf32>
    %slice3A_770 = vector.extract_strided_slice %dot_general3A_767 {offsets = [0, 0], sizes = [32, 1], strides = [1, 1]} : vector<32x3xf32> to vector<32x1xf32>
    %add3A_771 = vector.broadcast %get3A_26 : f32 to vector<32x1xf32>
    %add3A_772 = arith.addf %slice3A_770, %add3A_771 : vector<32x1xf32>
    %logistic3A_773 = arith.negf %add3A_772 : vector<32x1xf32>
    %logistic3A_774 = math.exp %logistic3A_773 : vector<32x1xf32>
    %logistic3A_775 = arith.constant 1.000000e+00 : f32
    %logistic3A_776 = vector.broadcast %logistic3A_775 : f32 to vector<32x1xf32>
    %logistic3A_777 = arith.addf %logistic3A_776, %logistic3A_774 : vector<32x1xf32>
    %logistic3A_778 = arith.divf %logistic3A_776, %logistic3A_777 : vector<32x1xf32>
    %mul3A_779 = vector.broadcast %get3A_35 : f32 to vector<32x1xf32>
    %mul3A_780 = arith.mulf %logistic3A_778, %mul3A_779 : vector<32x1xf32>
    %slice3A_781 = vector.extract_strided_slice %dot_general3A_769 {offsets = [1, 0], sizes = [1, 32], strides = [1, 1]} : vector<3x32xf32> to vector<1x32xf32>
    %add3A_782 = vector.broadcast %get3A_29 : f32 to vector<1x32xf32>
    %add3A_783 = arith.addf %slice3A_781, %add3A_782 : vector<1x32xf32>
    %logistic3A_784 = arith.negf %add3A_783 : vector<1x32xf32>
    %logistic3A_785 = math.exp %logistic3A_784 : vector<1x32xf32>
    %logistic3A_786 = arith.constant 1.000000e+00 : f32
    %logistic3A_787 = vector.broadcast %logistic3A_786 : f32 to vector<1x32xf32>
    %logistic3A_788 = arith.addf %logistic3A_787, %logistic3A_785 : vector<1x32xf32>
    %logistic3A_789 = arith.divf %logistic3A_787, %logistic3A_788 : vector<1x32xf32>
    %slice3A_790 = vector.extract_strided_slice %dot_general3A_767 {offsets = [0, 2], sizes = [32, 1], strides = [1, 1]} : vector<32x3xf32> to vector<32x1xf32>
    %add3A_791 = vector.broadcast %get3A_32 : f32 to vector<32x1xf32>
    %add3A_792 = arith.addf %slice3A_790, %add3A_791 : vector<32x1xf32>
    %logistic3A_793 = arith.negf %add3A_792 : vector<32x1xf32>
    %logistic3A_794 = math.exp %logistic3A_793 : vector<32x1xf32>
    %logistic3A_795 = arith.constant 1.000000e+00 : f32
    %logistic3A_796 = vector.broadcast %logistic3A_795 : f32 to vector<32x1xf32>
    %logistic3A_797 = arith.addf %logistic3A_796, %logistic3A_794 : vector<32x1xf32>
    %logistic3A_798 = arith.divf %logistic3A_796, %logistic3A_797 : vector<32x1xf32>
    %slice3A_799 = vector.extract_strided_slice %dot_general3A_769 {offsets = [2, 0], sizes = [1, 32], strides = [1, 1]} : vector<3x32xf32> to vector<1x32xf32>
    %add3A_800 = vector.broadcast %get3A_32 : f32 to vector<1x32xf32>
    %add3A_801 = arith.addf %slice3A_799, %add3A_800 : vector<1x32xf32>
    %logistic3A_802 = arith.negf %add3A_801 : vector<1x32xf32>
    %logistic3A_803 = math.exp %logistic3A_802 : vector<1x32xf32>
    %logistic3A_804 = arith.constant 1.000000e+00 : f32
    %logistic3A_805 = vector.broadcast %logistic3A_804 : f32 to vector<1x32xf32>
    %logistic3A_806 = arith.addf %logistic3A_805, %logistic3A_803 : vector<1x32xf32>
    %logistic3A_807 = arith.divf %logistic3A_805, %logistic3A_806 : vector<1x32xf32>
    %max3A_808 = arith.constant 1.000000e-30 : f32
    %max3A_809 = vector.broadcast %max3A_808 : f32 to vector<32x1xf32>
    %max3A_810 = arith.maximumf %logistic3A_798, %max3A_809 : vector<32x1xf32>
    %log3A_811 = math.log %max3A_810 : vector<32x1xf32>
    %max3A_812 = arith.constant 1.000000e-30 : f32
    %max3A_813 = vector.broadcast %max3A_812 : f32 to vector<1x32xf32>
    %max3A_814 = arith.maximumf %logistic3A_807, %max3A_813 : vector<1x32xf32>
    %log3A_815 = math.log %max3A_814 : vector<1x32xf32>
    %dot_general3A_816 = arith.constant dense<0.000000e+00> : vector<1x32xf32>
    %dot_general3A_817 = tpu.matmul %log3A_815, %select_n3A_54, %dot_general3A_816 {dimension_numbers = #tpu.dot_dimension_numbers<[1], [0], [0], [1], [0, 0, 1, 1], [], []>, transpose_lhs_hint = false} : vector<1x32xf32>, vector<32x32xf32>, vector<1x32xf32> -> vector<1x32xf32>
    %dot_general3A_818 = arith.constant dense<0.000000e+00> : vector<32x1xf32>
    %dot_general3A_819 = tpu.matmul %select_n3A, %log3A_811, %dot_general3A_818 {dimension_numbers = #tpu.dot_dimension_numbers<[1], [0], [0], [1], [0, 0, 1, 1], [], []>, transpose_lhs_hint = false} : vector<32x32xf32>, vector<32x1xf32>, vector<32x1xf32> -> vector<32x1xf32>
    %sub3A_820 = vector.broadcast %dot_general3A_819 : vector<32x1xf32> to vector<32x32xf32>
    %sub3A_821 = vector.broadcast %dot_general3A_817 : vector<1x32xf32> to vector<32x32xf32>
    %sub3A_822 = arith.subf %sub3A_820, %sub3A_821 : vector<32x32xf32>
    %jit3A_823 = arith.constant -1.000000e+30 : f32
    %broadcast_in_dim3A_824 = vector.broadcast %jit3A_823 : f32 to vector<32x32xf32>
    %select_n3A_825 = arith.select %lt3A, %sub3A_822, %broadcast_in_dim3A_824 : vector<32x32xi1>, vector<32x32xf32>
    %exp3A_826 = math.exp %select_n3A_825 : vector<32x32xf32>
    %mul3A_827 = vector.broadcast %logistic3A_789 : vector<1x32xf32> to vector<32x32xf32>
    %mul3A_828 = arith.mulf %exp3A_826, %mul3A_827 : vector<32x32xf32>
    %mul3A_829 = vector.broadcast %mul3A_780 : vector<32x1xf32> to vector<32x32xf32>
    %mul3A_830 = arith.mulf %mul3A_828, %mul3A_829 : vector<32x32xf32>
    %get3A_831 = arith.constant 7 : index
    %get3A_832 = arith.constant 0 : index
    %get3A_833 = vector.load %arg0[%get3A_831, %get3A_832] : memref<8x32xi32, #tpu.memory_space<vmem>>, vector<1x32xi32>
    %get3A_834 = arith.constant 7 : index
    %get3A_835 = arith.constant 0 : index
    %get3A_836 = arith.constant 0 : index
    %get3A_837 = vector.load %arg1[%get3A_834, %get3A_835, %get3A_836] : memref<8x32x1xi32, #tpu.memory_space<vmem>>, vector<1x32x1xi32>
    %get3A_838 = vector.shape_cast %get3A_837 : vector<1x32x1xi32> to vector<32x1xi32>
    %eq3A_839 = vector.broadcast %get3A_838 : vector<32x1xi32> to vector<32x32xi32>
    %eq3A_840 = vector.broadcast %get3A_833 : vector<1x32xi32> to vector<32x32xi32>
    %eq3A_841 = arith.cmpi eq, %eq3A_839, %eq3A_840 : vector<32x32xi32>
    %jit3A_842 = arith.constant 1.000000e+00 : f32
    %jit3A_843 = arith.constant 0.000000e+00 : f32
    %broadcast_in_dim3A_844 = vector.broadcast %jit3A_842 : f32 to vector<32x32xf32>
    %broadcast_in_dim3A_845 = vector.broadcast %jit3A_843 : f32 to vector<32x32xf32>
    %select_n3A_846 = arith.select %eq3A_841, %broadcast_in_dim3A_844, %broadcast_in_dim3A_845 : vector<32x32xi1>, vector<32x32xf32>
    %dot_general3A_847 = arith.constant dense<0.000000e+00> : vector<32x32xf32>
    %dot_general3A_848 = tpu.matmul %mul3A_830, %select_n3A_846, %dot_general3A_847 {dimension_numbers = #tpu.dot_dimension_numbers<[1], [1], [0], [0], [0, 0, 1, 0], [], []>, transpose_lhs_hint = false} : vector<32x32xf32>, vector<32x32xf32>, vector<32x32xf32> -> vector<32x32xf32>
    %swap3A_849 = arith.constant 7 : index
    %swap3A_850 = arith.constant 0 : index
    %swap3A_851 = arith.constant 0 : index
    %swap3A_852 = vector.load %arg13[%swap3A_849, %swap3A_850, %swap3A_851] : memref<8x32x32xf32, #tpu.memory_space<vmem>>, vector<1x32x32xf32>
    %swap3A_853 = vector.shape_cast %swap3A_852 : vector<1x32x32xf32> to vector<32x32xf32>
    %swap3A_854 = vector.shape_cast %dot_general3A_848 : vector<32x32xf32> to vector<1x32x32xf32>
    tpu.vector_store %arg13[%swap3A_849, %swap3A_850, %swap3A_851], %swap3A_854 {strides = array<i32>} : memref<8x32x32xf32, #tpu.memory_space<vmem>>, vector<1x32x32xf32>,
    return
  }
}

module attributes {stable_mosaic.version = 14 : i64} {
  func.func @_logits_body(%arg0: i32, %arg1: memref<256x64xf32, #tpu.memory_space<vmem>>, %arg2: memref<8192x64xf32, #tpu.memory_space<vmem>>, %arg3: memref<1x8192xf32, #tpu.memory_space<vmem>>, %arg4: memref<256x8192xf32, #tpu.memory_space<vmem>>) attributes {dimension_semantics = [#tpu.dimension_semantics<arbitrary>], iteration_bounds = array<i64: 13>, scalar_prefetch = 0 : i64, scratch_operands = 0 : i64, tpu.core_type = #tpu.core_type<tc>, window_params = [{pipeline_mode = #tpu.pipeline_mode<synchronous>, transform_indices = @transform_0, window_bounds = array<i64: 256, 64>}, {transform_indices = @transform_1, window_bounds = array<i64: 8192, 64>}, {transform_indices = @transform_2, window_bounds = array<i64: 1, 8192>}, {transform_indices = @transform_3, window_bounds = array<i64: 256, 8192>}]} {
    %get3A = arith.constant 0 : index
    %get3A_0 = arith.constant 0 : index
    %get3A_1 = vector.load %arg1[%get3A, %get3A_0] : memref<256x64xf32, #tpu.memory_space<vmem>>, vector<256x64xf32>
    %get3A_2 = arith.constant 0 : index
    %get3A_3 = arith.constant 0 : index
    %get3A_4 = vector.load %arg2[%get3A_2, %get3A_3] : memref<8192x64xf32, #tpu.memory_space<vmem>>, vector<8192x64xf32>
    %dot_general3A = arith.constant dense<0.000000e+00> : vector<256x8192xf32>
    %dot_general3A_5 = tpu.matmul %get3A_1, %get3A_4, %dot_general3A {dimension_numbers = #tpu.dot_dimension_numbers<[1], [1], [0], [0], [0, 0, 1, 0], [], []>, transpose_lhs_hint = false} : vector<256x64xf32>, vector<8192x64xf32>, vector<256x8192xf32> -> vector<256x8192xf32>
    %get3A_6 = arith.constant 0 : index
    %get3A_7 = arith.constant 0 : index
    %get3A_8 = vector.load %arg3[%get3A_6, %get3A_7] : memref<1x8192xf32, #tpu.memory_space<vmem>>, vector<1x8192xf32>
    %add3A = vector.broadcast %get3A_8 : vector<1x8192xf32> to vector<256x8192xf32>
    %add3A_9 = arith.addf %dot_general3A_5, %add3A : vector<256x8192xf32>
    %swap3A = arith.constant 0 : index
    %swap3A_10 = arith.constant 0 : index
    %swap3A_11 = vector.load %arg4[%swap3A, %swap3A_10] : memref<256x8192xf32, #tpu.memory_space<vmem>>, vector<256x8192xf32>
    tpu.vector_store %arg4[%swap3A, %swap3A_10], %add3A_9 {strides = array<i32>} : memref<256x8192xf32, #tpu.memory_space<vmem>>, vector<256x8192xf32>,
    return
  }
  func.func @transform_0(%arg0: i32) -> (i32, i32) {
    %c0_i32 = arith.constant 0 : i32
    %c0_i32_0 = arith.constant 0 : i32
    %c0_i32_1 = arith.constant 0 : i32
    return %c0_i32, %c0_i32_0 : i32, i32
  }
  func.func @transform_1(%arg0: i32) -> (i32, i32) {
    %c0_i32 = arith.constant 0 : i32
    %c0_i32_0 = arith.constant 0 : i32
    return %arg0, %c0_i32 : i32, i32
  }
  func.func @transform_2(%arg0: i32) -> (i32, i32) {
    %c0_i32 = arith.constant 0 : i32
    %c0_i32_0 = arith.constant 0 : i32
    return %c0_i32, %arg0 : i32, i32
  }
  func.func @transform_3(%arg0: i32) -> (i32, i32) {
    %c0_i32 = arith.constant 0 : i32
    %c0_i32_0 = arith.constant 0 : i32
    return %c0_i32, %arg0 : i32, i32
  }
}

</mosaic_0001>

<sc_bundles>
// kernel: kernel.6.cloned.1.call-start
scs
__scs_entry_jumppad:
0x0: {  	(pc) =	sbr.rel $0x88, $3  }
0x1: {  	(tag) =	ssettag $0x0;
	lr =	simm.s32 $0x1  }
0x2: {  	[smem:$0x3F91] =	sst lr;
	_ =	strace $0xD0000000  }
0x3: {  	_ = 	snop  }
0x4: {  	_ = 	snop  }
0x5: {  	_ = 	snop  }
0x6: {  	_ = 	snop  }
0x7: {  	_ = 	snop  }
__scs_overlays_trampoline_lowered:
0x8: {  	[smem:$0x3FA0] =	sst s0  }
0x9: {  	[smem:$0x3FA1] =	sst s1  }
0xa: {  	[smem:$0x3FA2] =	sst s2  }
0xb: {  	[smem:$0x3FA3] =	sst s3  }
0xc: {  	[smem:$0x3FA4] =	sst s4  }
0xd: {  	[smem:$0x3FA5] =	sst s5  }
0xe: {  	[smem:$0x3FA6] =	sst s6  }
0xf: {  	[smem:$0x3FA7] =	sst s7  }
0x10: {  	[smem:$0x3FA8] =	sst s8  }
0x11: {  	[smem:$0x3FA9] =	sst s9;
	s0 =	simm.s32 @!p0 $0x0  }
0x12: {  	s1 =	sld [smem:$0x3F8F];
	s0 =	simm.s32 @p0 $0x1  }
0x13: {  	[smem:$0x3FAA] =	sst s0;
	s0 =	simm.s32 @!p1 $0x0  }
0x14: {  	s2 =	sld [smem:$0x3F8E];
	s0 =	simm.s32 @p1 $0x1  }
0x15: {  	[smem:$0x3FAB] =	sst s0;
	s0 =	simm.s32 @!p2 $0x0  }
0x16: {  	s3 =	sld [smem:$0x3FDB];
	s0 =	simm.s32 @p2 $0x1  }
0x17: {  	s4 =	simm.s32 $0x1BF5;
	[smem:$0x3FAD] =	sst s0  }
0x18: {  	s0 =	sld [smem:$0x3F90];
	_ =	swait.ge [sflag:s4], $0x0  }
0x19: {  	s7 =	sld [smem:$0x3F91]  }
0x1a: {  	s8 =	sadd.s32 $0xFFFFE003, lr  }
0x1b: {  	s9 =	sadd.s32 $0xFFFFFEF7, lr;
	s5 =	simm.s32 $0xFFFFFFFF;
	p2 =	slt.u32 s8, $0xFFFFF086  }
0x1c: {  	p1 =	slt.u32 s9, $0xF7A;
	s5 =	simm.s32 @!p2 $0x0  }
0x1d: {  	s5 =	simm.s32 @p1 $0x1;
	p0 =	seq.s32 s7, s2  }
0x1e: {  	s7 =	smul.u32 @!p0 $0xF7A, s2;
	p2 =	seq.s32 @!p0 s5, $0x0  }
0x1f: {  	s9 =	smul.u32 $0xF7A, s1;
	s8 =	simm.s32 @!p0 $0x1BF5;
	p2 =	por !p2, p0  }
0x20: {  	[sflag:s8] =	ssyncset.s32 @!p0 $0xFFFFF086;
	s6 =	sadd.s32 @!p0 s3, s7;
	s7 =	simm.s32 @!p0 $0x108  }
0x21: {  	s3 =	sadd.s32 s3, s9;
	s6 =	sadd.s32 @!p0 $0x88, s6;
	s7 =	simm.s32 @p2 $0x1082  }
0x22: {  	[simem:s7], [sflag:s8] =	dma.local @!p0 [hbm:s6], $0xF7A  }
0x23: {  	s9 =	sor.u32 $0xD0000000, s2;
	s6 =	simm.s32 $0x108;
	_ =	swait.ge @!p0 [sflag:s8], $0x0  }
0x24: {  	s3 =	sadd.s32 $0x88, s3;
	s6 =	simm.s32 @!p1 $0x1082;
	[sflag:s4] =	ssyncset.s32 $0xFFFFF086  }
0x25: {  	[simem:s6], [sflag:s4] =	dma.local [hbm:s3], $0xF7A  }
0x26: {  	[smem:$0x3F91] =	sst s1;
	(tag) =	ssettag s2;
	_ =	strace s9  }
0x27: {  	s1 =	sld [smem:$0x3FA1]  }
0x28: {  	s2 =	sld [smem:$0x3FA2]  }
0x29: {  	s4 =	sld [smem:$0x3FA4]  }
0x2a: {  	p0 =	seq.s32 s5, $0x0;
	s5 =	sld [smem:$0x3FA5]  }
0x2b: {  	s6 =	sld [smem:$0x3FA6]  }
0x2c: {  	s7 =	sld [smem:$0x3FA7]  }
0x2d: {  	s3 =	simm.s32 $0x108;
	s8 =	sld [smem:$0x3FA8]  }
0x2e: {  	s3 =	simm.s32 @!p0 $0x1082;
	s9 =	sld [smem:$0x3FA9]  }
0x2f: {  	lr =	sadd.s32 s0, s3;
	s0 =	sld [smem:$0x3FA0]  }
0x30: {  	s3 =	sld [smem:$0x3FA3]  }
0x31: {  	[smem:$0x3FAC] =	sst s10  }
0x32: {  	s10 =	sld [smem:$0x3FAA];
	_ =	sdelay $0x3  }
0x33: {  	p0 =	seq.s32 s10, $0x1;
	s10 =	sld [smem:$0x3FAC];
	_ =	sdelay $0x3  }
0x34: {  	[smem:$0x3FAC] =	sst s10  }
0x35: {  	s10 =	sld [smem:$0x3FAB];
	_ =	sdelay $0x3  }
0x36: {  	p1 =	seq.s32 s10, $0x1;
	s10 =	sld [smem:$0x3FAC];
	_ =	sdelay $0x3  }
0x37: {  	[smem:$0x3FAC] =	sst s10  }
0x38: {  	s10 =	sld [smem:$0x3FAD]  }
0x39: {  	_ = 	snop;
	(pc) =	sbr.ind lr, $3  }
0x3a: {  	_ = 	snop  }
0x3b: {  	_ = 	snop  }
0x3c: {  	p2 =	seq.s32 s10, $0x1;
	s10 =	sld [smem:$0x3FAC]  }
0x3d: {  	_ =	shalt  }
0x3e: {  	_ =	shalt  }
0x3f: {  	_ =	shalt  }
0x40: {  	_ =	shalt  }
0x41: {  	_ =	shalt  }
0x42: {  	_ =	shalt  }
0x43: {  	_ =	shalt  }
0x44: {  	_ =	shalt  }
0x45: {  	_ =	shalt  }
0x46: {  	_ =	shalt  }
0x47: {  	_ =	shalt  }
0x48: {  	_ =	shalt  }
0x49: {  	_ =	shalt  }
0x4a: {  	_ =	shalt  }
0x4b: {  	_ =	shalt  }
0x4c: {  	_ =	shalt  }
0x4d: {  	_ =	shalt  }
0x4e: {  	_ =	shalt  }
0x4f: {  	_ =	shalt  }
0x50: {  	_ =	shalt  }
0x51: {  	_ =	shalt  }
0x52: {  	_ =	shalt  }
0x53: {  	_ =	shalt  }
0x54: {  	_ =	shalt  }
0x55: {  	_ =	shalt  }
0x56: {  	_ =	shalt  }
0x57: {  	_ =	shalt  }
0x58: {  	_ =	shalt  }
0x59: {  	_ =	shalt  }
0x5a: {  	_ =	shalt  }
0x5b: {  	_ =	shalt  }
0x5c: {  	_ =	shalt  }
0x5d: {  	_ =	shalt  }
0x5e: {  	_ =	shalt  }
0x5f: {  	_ =	shalt  }
0x60: {  	_ =	shalt  }
0x61: {  	_ =	shalt  }
0x62: {  	_ =	shalt  }
0x63: {  	_ =	shalt  }
0x64: {  	_ =	shalt  }
0x65: {  	_ =	shalt  }
0x66: {  	_ =	shalt  }
0x67: {  	_ =	shalt  }
0x68: {  	_ =	shalt  }
0x69: {  	_ =	shalt  }
0x6a: {  	_ =	shalt  }
0x6b: {  	_ =	shalt  }
0x6c: {  	_ =	shalt  }
0x6d: {  	_ =	shalt  }
0x6e: {  	_ =	shalt  }
0x6f: {  	_ =	shalt  }
0x70: {  	_ =	shalt  }
0x71: {  	_ =	shalt  }
0x72: {  	_ =	shalt  }
0x73: {  	_ =	shalt  }
0x74: {  	_ =	shalt  }
0x75: {  	_ =	shalt  }
0x76: {  	_ =	shalt  }
0x77: {  	_ =	shalt  }
0x78: {  	_ =	shalt  }
0x79: {  	_ =	shalt  }
0x7a: {  	_ =	shalt  }
0x7b: {  	_ =	shalt  }
0x7c: {  	_ =	shalt  }
0x7d: {  	_ =	shalt  }
0x7e: {  	_ =	shalt  }
0x7f: {  	_ =	shalt  }
0x80: {  	_ =	shalt  }
0x81: {  	_ =	shalt  }
0x82: {  	_ =	shalt  }
0x83: {  	_ =	shalt  }
0x84: {  	_ =	shalt  }
0x85: {  	_ =	shalt  }
0x86: {  	_ =	shalt  }
0x87: {  	_ =	shalt  }
.Lfunc_end0:
.L_simem_size_0:
called_computation_lowered:
.L_overlay_start_0:
0x88: {  	s2 =	sld [smem:$0x3FD9]  }
0x89: {  	s3 =	sld [smem:$0x3FFE];
	_ =	sdelay $0x1  }
0x8a: {  	s1 =	srdreg.scid  }
0x8b: {  	s0 =	sand.u32 $0x1, s1  }
0x8c: {  	s17 =	sshll.u32 s0, $0xA;
	s2 =	sadd.s32 s3, s2  }
0x8d: {  	s2 =	sadd.s32 s2, s17  }
0x8e: {  	[smem:$0x3FB8] =	sst s2  }
0x8f: {  	_ = 	snop  }
0x90: {  	s2 =	sld [smem:$0x3FD0];
	(tm) =	ssettm $0x1  }
0x91: {  	s18 =	sld [smem:$0x3FFB];
	_ =	sdelay $0x3  }
0x92: {  	_ =	strace s18  }
0x93: {  	s3 =	sld [smem:$0x3FFC];
	_ =	sdelay $0x3  }
0x94: {  	_ =	strace s3  }
0x95: {  	s3 =	sld [smem:$0x3FFD];
	_ =	sdelay $0x3  }
0x96: {  	_ =	strace s3  }
0x97: {  	_ =	strace $0x8FFFFFFF  }
0x98: {  	s19 =	sld [smem:$0x3FDB];
	_ =	sdelay $0x1  }
0x99: {  	s4 =	simm.s32 $_scs_section_size  }
0x9a: {  	s5 =	simm.s32 $_size__tile_overlayer_lowered;
	s6 =	simm.s32 $_tile_overlayer_lowered  }
0x9b: {  	s22 =	simm.s32 $0x1BFF;
	s21 =	sshll.u32 s6, $0x1;
	s3 =	sadd.s32 s4, s19  }
0x9c: {  	s7 =	simm.s32 $0x0;
	s20 =	sshll.u32 s5, $0x1;
	s5 =	sadd.s32 s21, s3  }
0x9d: {  	[timem:s7], [sflag:s22] =	dma.local [hbm:s5], s20  }
0x9e: {  	_ =	swait.ge [sflag:s22], s20  }
0x9f: {  	s4 =	ssub.s32 $0x0, s20;
	[sflag:s22] =	ssyncset.done $0x0  }
0xa0: {  	[sflag:s22] =	ssyncadd.s32 s4;
	_ =	sdelay $0x1  }
0xa1: {  	s23 =	simm.s32 $0x1B8B  }
0xa2: {  	_ =	swait.ge [sflag:s23], $0x1  }
0xa3: {  	[sflag:s23] =	ssyncset.done $0x0  }
0xa4: {  	s25 =	simm.s32 $0x1B8E;
	s24 =	sld [smem:$0x3FFE];
	[sflag:s23] =	ssyncadd.s32 $0xFFFFFFFF  }
0xa5: {  	s26 =	simm.s32 $execute0_lowered;
	[smem:$0x3FD2] =	sst s25  }
0xa6: {  	s5 =	sshll.u32 s26, $0x1;
	_ =	strace $0x80000046;
	[dreg:$0x1] =	wrdreg $0xFFFFFFFF  }
0xa7: {  	s28 =	simm.s32 $_size_execute0_lowered;
	s3 =	sadd.s32 s3, s5;
	[dreg:$0x0] =	wrdreg $0x0  }
0xa8: {  	s5 =	sshll.u32 s28, $0x1;
	[dreg:$0x2] =	wrdreg s3  }
0xa9: {  	[dreg:$0x3] =	wrdreg s5  }
0xaa: {  	[dreg:$0x4] =	wrdreg $0xC0  }
0xab: {  	_ =	task [dreg:s7], $0x5FFFF  }
0xac: {  	[dreg:$0x1] =	wrdreg $0xFFFFFFFF  }
0xad: {  	[dreg:$0x0] =	wrdreg $0x60  }
0xae: {  	[dreg:$0x2] =	wrdreg s2  }
0xaf: {  	[dreg:$0x3] =	wrdreg s24  }
0xb0: {  	[dreg:$0x4] =	wrdreg $0x9  }
0xb1: {  	_ =	task.clear_ibuf [dreg:s7], $0x5FFFF;
	_ =	strace $0x90000046  }
0xb2: {  	s29 =	simm.s32 $0x9;
	_ =	strace $0x80000048  }
0xb3: {  	_ =	swait.ge [sflag:s29], $0x1  }
0xb4: {  	[sflag:s29] =	ssyncadd.s32 $0xFFFFFFFF  }
0xb5: {  	_ =	strace $0x90000048  }
0xb6: {  	_ =	sfence  }
0xb7: {  	s30 =	sld [smem:$0x0];
	_ =	sdelay $0x2  }
0xb8: {  	s31 =	sshll.u32 s1, $0xD;
	s1 =	sshrl.u32 s1, $0x2  }
0xb9: {  	s3 =	sand.u32 $0x4000, s31;
	s1 =	sadd.s32 s1, s30  }
0xba: {  	s0 =	sor.u32 s3, s0;
	s1 =	sshll.u32 s1, $0x11  }
0xbb: {  	s0 =	sor.u32 s1, s0  }
0xbc: {  	s0 =	sadd.s32 $0x8F2B, s0  }
0xbd: {  	[sflag:s0] =	ssyncadd.remote.s32 $0x1  }
0xbe: {  	_ =	sfence.sel $0xFFFF  }
0xbf: {  	[dreg:$0x0] =	wrdreg $0xFFFFFFFF;
	(pc) =	sbr.abs _section_cstart, $3  }
0xc0: {  	[dreg:$0x1] =	wrdreg $0xFFFFFFFF  }
0xc1: {  	_ =	task.clear_ibuf [dreg:s7], $0x2FFFF;
	_ =	strace $0x9FFFFFFF  }
0xc2: {  	(tm) =	ssettm $0x7FFFFFFF  }
0xc3: {  	_ =	shalt  }
tec
execute0_lowered:
.L_overlay_start_1:
0x0: {  	(tag) =	ssettag $0x1  }
0x1: {  	s1 =	srdreg.scid  }
0x2: {  	s0 =	stileid.u32;
	s6 =	sand.u32 $0x1, s1  }
0x3: {  	s2 =	rddreg [dreg:$0x0];
	s30 =	sshll.u32 s0, $0x4;
	s3 =	sshll.u32 s6, $0x3  }
0x4: {  	s8 =	rddreg [dreg:$0x1];
	s7 =	simm.s32 $0x1;
	s9 =	sor.u32 s3, s30  }
0x5: {  	s1 =	rddreg [dreg:$0x2];
	s3 =	simm.s32 $0x0;
	s4 =	sshrl.u32 s9, $0x3  }
0x6: {  	s10 =	ssub.s32 $0x2, s6;
	[smem:$0x7FF] =	sst s3;
	s4 =	sadd.s32 s4, s8  }
0x7: {  	_ =	strace $0x80000047;
	s5 =	sadd.s32 $0x2000, s4;
	s4 =	simm.s32 $0x2  }
0x8: {  	[tilespmem:s3], [sflag:$0x2] =	stream.linear.gather [hbm4b:s5+s3], $0x8, $0x38;
	[tilespmem:$0x208] =	vst v63  }
0x9: {  	s6 =	simm.s32 $0x8;
	s11 =	sshrl.u32 s10, $0x1;
	_ =	swait.ge [sflag:s4], $0x8  }
0xa: {  	s9 =	sshll.u32 s9, $0x3;
	s31 =	ssub.s32 s10, s11;
	[sflag:s4] =	ssyncset.done $0x0  }
0xb: {  	s8 =	sadd.s32 s9, s8;
	s9 =	smax.u32 s31, $0x1;
	[sflag:s4] =	ssyncadd.s32 $0xFFFFFFF8  }
0xc: {  	[tilespmem:s6], [sflag:$0x1] =	stream.indirect.gather [hbm4b:s2+s6], $0x40, s3, s6, $0xb8;
	[tilespmem:$0x208] =	vst v63  }
0xd: {  	p0 =	sne.s32 s9, $0x1;
	_ =	swait.ge [sflag:s7], $0x200  }
.Ltmp0:
0xe: {  	[sflag:s7] =	ssyncset.done $0x0;
	(pc) =	sbr.rel @!p0 .LBB2_2-.Ltmp0, $4  }
0xf: {  	s8 =	sadd.s32 $0x188C00, s8;
	[sflag:s7] =	ssyncadd.s32 $0xFFFFFE00  }
0x10: {  	[hbm4b:s8+s3] =	stream.linear.scatter [tilespmem:s6], [sflag:$0x2], $0x200, $0x38;
	[tilespmem:$0x208] =	vst v63  }
0x11: {  	_ =	swait.ge [sflag:s4], $0x200  }
0x12: {  	s9 =	sadd.s32 $0xFFFFFFFF, s9;
	[sflag:s4] =	ssyncset.done $0x0  }
.LBB2_1:
0x13: {  	p0 =	sne.s32 s9, $0x1;
	s9 =	sadd.s32 $0xFFFFFFFF, s9;
	[sflag:s4] =	ssyncadd.s32 $0xFFFFFE00  }
0x14: {  	[tilespmem:s3], [sflag:$0x2] =	stream.linear.gather [hbm4b:s5+s3], $0x8, $0x38;
	[tilespmem:$0x208] =	vst v63  }
0x15: {  	_ =	swait.ge [sflag:s4], $0x8  }
0x16: {  	[sflag:s4] =	ssyncset.done $0x0  }
0x17: {  	[sflag:s4] =	ssyncadd.s32 $0xFFFFFFF8  }
0x18: {  	[tilespmem:s6], [sflag:$0x1] =	stream.indirect.gather [hbm4b:s2+s6], $0x40, s3, s6, $0xb8;
	[tilespmem:$0x208] =	vst v63  }
0x19: {  	_ =	swait.ge [sflag:s7], $0x200  }
.Ltmp1:
0x1a: {  	[sflag:s7] =	ssyncset.done $0x0;
	(pc) =	sbr.rel @p0 .LBB2_1-.Ltmp1, $4  }
0x1b: {  	[sflag:s7] =	ssyncadd.s32 $0xFFFFFE00  }
0x1c: {  	[hbm4b:s8+s3] =	stream.linear.scatter [tilespmem:s6], [sflag:$0x2], $0x200, $0x38;
	[tilespmem:$0x208] =	vst v63  }
0x1d: {  	_ =	swait.ge [sflag:s4], $0x200  }
0x1e: {  	[sflag:s4] =	ssyncset.done $0x0  }
.LBB2_2:
0x1f: {  	[sflag:s4] =	ssyncadd.s32 $0xFFFFFE00  }
0x20: {  	_ =	sfence.sel $0x180000  }
0x21: {  	[bflag:$0x0] =	sbarrier.arrive $0xFFFF  }
0x22: {  	p0 =	sne.s32 s0, $0x0;
	_ =	strace $0x90000047  }
0x23: {  	s0 =	sadd.s32 @!p0 $0x100000, s1;
	[bflag:$0x2] =	sbarrier.arrive $0xFFFF  }
0x24: {  	[sflag:s0] =	ssyncadd.tile.s32 @!p0 $0x1;
	_ =	shalt  }
.Lfunc_end2:
_tile_overlayer_lowered:
.L_overlay_start_2:
0x25: {  	(tag) =	ssettag $0x2  }
0x26: {  	s0 =	rddreg [dreg:$0x0];
	s2 =	stileid.u32  }
0x27: {  	s1 =	rddreg [dreg:$0x1];
	p0 =	sne.s32 s2, $0x0  }
0x28: {  	s3 =	rddreg [dreg:$0x2];
	[bflag:$0x3] =	sbarrier.arrive $0xFFFF;
	s2 =	simm.s32 @!p0 $0x1C02  }
0x29: {  	[timem:s3], [sflag:s2] =	dma.local @!p0 [hbm:s0], s1  }
0x2a: {  	s0 =	simm.s32 @!p0 $0x2  }
0x2b: {  	_ =	swait.ge @!p0 [sflag:s0], s1  }
0x2c: {  	s1 =	ssub.s32 @!p0 $0x0, s1;
	[sflag:s0] =	ssyncset.done @!p0 $0x0  }
0x2d: {  	[sflag:s0] =	ssyncadd.s32 @!p0 s1  }
0x2e: {  	[bflag:$0x3] =	sbarrier.arrive $0xFFFF  }
0x2f: {  	_ =	shalt  }

// kernel: kernel.9.cloned.1.call-start
scs
__scs_entry_jumppad:
0x0: {  	(pc) =	sbr.rel $0x88, $3  }
0x1: {  	(tag) =	ssettag $0x0;
	lr =	simm.s32 $0x1  }
0x2: {  	[smem:$0x3F91] =	sst lr;
	_ =	strace $0xD0000000  }
0x3: {  	_ = 	snop  }
0x4: {  	_ = 	snop  }
0x5: {  	_ = 	snop  }
0x6: {  	_ = 	snop  }
0x7: {  	_ = 	snop  }
__scs_overlays_trampoline_lowered:
0x8: {  	[smem:$0x3FA0] =	sst s0  }
0x9: {  	[smem:$0x3FA1] =	sst s1  }
0xa: {  	[smem:$0x3FA2] =	sst s2  }
0xb: {  	[smem:$0x3FA3] =	sst s3  }
0xc: {  	[smem:$0x3FA4] =	sst s4  }
0xd: {  	[smem:$0x3FA5] =	sst s5  }
0xe: {  	[smem:$0x3FA6] =	sst s6  }
0xf: {  	[smem:$0x3FA7] =	sst s7  }
0x10: {  	[smem:$0x3FA8] =	sst s8  }
0x11: {  	[smem:$0x3FA9] =	sst s9;
	s0 =	simm.s32 @!p0 $0x0  }
0x12: {  	s1 =	sld [smem:$0x3F8F];
	s0 =	simm.s32 @p0 $0x1  }
0x13: {  	[smem:$0x3FAA] =	sst s0;
	s0 =	simm.s32 @!p1 $0x0  }
0x14: {  	s2 =	sld [smem:$0x3F8E];
	s0 =	simm.s32 @p1 $0x1  }
0x15: {  	[smem:$0x3FAB] =	sst s0;
	s0 =	simm.s32 @!p2 $0x0  }
0x16: {  	s3 =	sld [smem:$0x3FDB];
	s0 =	simm.s32 @p2 $0x1  }
0x17: {  	s4 =	simm.s32 $0x1BF5;
	[smem:$0x3FAD] =	sst s0  }
0x18: {  	s0 =	sld [smem:$0x3F90];
	_ =	swait.ge [sflag:s4], $0x0  }
0x19: {  	s7 =	sld [smem:$0x3F91]  }
0x1a: {  	s8 =	sadd.s32 $0xFFFFE003, lr  }
0x1b: {  	s9 =	sadd.s32 $0xFFFFFEF7, lr;
	s5 =	simm.s32 $0xFFFFFFFF;
	p2 =	slt.u32 s8, $0xFFFFF086  }
0x1c: {  	p1 =	slt.u32 s9, $0xF7A;
	s5 =	simm.s32 @!p2 $0x0  }
0x1d: {  	s5 =	simm.s32 @p1 $0x1;
	p0 =	seq.s32 s7, s2  }
0x1e: {  	s7 =	smul.u32 @!p0 $0xF7A, s2;
	p2 =	seq.s32 @!p0 s5, $0x0  }
0x1f: {  	s9 =	smul.u32 $0xF7A, s1;
	s8 =	simm.s32 @!p0 $0x1BF5;
	p2 =	por !p2, p0  }
0x20: {  	[sflag:s8] =	ssyncset.s32 @!p0 $0xFFFFF086;
	s6 =	sadd.s32 @!p0 s3, s7;
	s7 =	simm.s32 @!p0 $0x108  }
0x21: {  	s3 =	sadd.s32 s3, s9;
	s6 =	sadd.s32 @!p0 $0x88, s6;
	s7 =	simm.s32 @p2 $0x1082  }
0x22: {  	[simem:s7], [sflag:s8] =	dma.local @!p0 [hbm:s6], $0xF7A  }
0x23: {  	s9 =	sor.u32 $0xD0000000, s2;
	s6 =	simm.s32 $0x108;
	_ =	swait.ge @!p0 [sflag:s8], $0x0  }
0x24: {  	s3 =	sadd.s32 $0x88, s3;
	s6 =	simm.s32 @!p1 $0x1082;
	[sflag:s4] =	ssyncset.s32 $0xFFFFF086  }
0x25: {  	[simem:s6], [sflag:s4] =	dma.local [hbm:s3], $0xF7A  }
0x26: {  	[smem:$0x3F91] =	sst s1;
	(tag) =	ssettag s2;
	_ =	strace s9  }
0x27: {  	s1 =	sld [smem:$0x3FA1]  }
0x28: {  	s2 =	sld [smem:$0x3FA2]  }
0x29: {  	s4 =	sld [smem:$0x3FA4]  }
0x2a: {  	p0 =	seq.s32 s5, $0x0;
	s5 =	sld [smem:$0x3FA5]  }
0x2b: {  	s6 =	sld [smem:$0x3FA6]  }
0x2c: {  	s7 =	sld [smem:$0x3FA7]  }
0x2d: {  	s3 =	simm.s32 $0x108;
	s8 =	sld [smem:$0x3FA8]  }
0x2e: {  	s3 =	simm.s32 @!p0 $0x1082;
	s9 =	sld [smem:$0x3FA9]  }
0x2f: {  	lr =	sadd.s32 s0, s3;
	s0 =	sld [smem:$0x3FA0]  }
0x30: {  	s3 =	sld [smem:$0x3FA3]  }
0x31: {  	[smem:$0x3FAC] =	sst s10  }
0x32: {  	s10 =	sld [smem:$0x3FAA];
	_ =	sdelay $0x3  }
0x33: {  	p0 =	seq.s32 s10, $0x1;
	s10 =	sld [smem:$0x3FAC];
	_ =	sdelay $0x3  }
0x34: {  	[smem:$0x3FAC] =	sst s10  }
0x35: {  	s10 =	sld [smem:$0x3FAB];
	_ =	sdelay $0x3  }
0x36: {  	p1 =	seq.s32 s10, $0x1;
	s10 =	sld [smem:$0x3FAC];
	_ =	sdelay $0x3  }
0x37: {  	[smem:$0x3FAC] =	sst s10  }
0x38: {  	s10 =	sld [smem:$0x3FAD]  }
0x39: {  	_ = 	snop;
	(pc) =	sbr.ind lr, $3  }
0x3a: {  	_ = 	snop  }
0x3b: {  	_ = 	snop  }
0x3c: {  	p2 =	seq.s32 s10, $0x1;
	s10 =	sld [smem:$0x3FAC]  }
0x3d: {  	_ =	shalt  }
0x3e: {  	_ =	shalt  }
0x3f: {  	_ =	shalt  }
0x40: {  	_ =	shalt  }
0x41: {  	_ =	shalt  }
0x42: {  	_ =	shalt  }
0x43: {  	_ =	shalt  }
0x44: {  	_ =	shalt  }
0x45: {  	_ =	shalt  }
0x46: {  	_ =	shalt  }
0x47: {  	_ =	shalt  }
0x48: {  	_ =	shalt  }
0x49: {  	_ =	shalt  }
0x4a: {  	_ =	shalt  }
0x4b: {  	_ =	shalt  }
0x4c: {  	_ =	shalt  }
0x4d: {  	_ =	shalt  }
0x4e: {  	_ =	shalt  }
0x4f: {  	_ =	shalt  }
0x50: {  	_ =	shalt  }
0x51: {  	_ =	shalt  }
0x52: {  	_ =	shalt  }
0x53: {  	_ =	shalt  }
0x54: {  	_ =	shalt  }
0x55: {  	_ =	shalt  }
0x56: {  	_ =	shalt  }
0x57: {  	_ =	shalt  }
0x58: {  	_ =	shalt  }
0x59: {  	_ =	shalt  }
0x5a: {  	_ =	shalt  }
0x5b: {  	_ =	shalt  }
0x5c: {  	_ =	shalt  }
0x5d: {  	_ =	shalt  }
0x5e: {  	_ =	shalt  }
0x5f: {  	_ =	shalt  }
0x60: {  	_ =	shalt  }
0x61: {  	_ =	shalt  }
0x62: {  	_ =	shalt  }
0x63: {  	_ =	shalt  }
0x64: {  	_ =	shalt  }
0x65: {  	_ =	shalt  }
0x66: {  	_ =	shalt  }
0x67: {  	_ =	shalt  }
0x68: {  	_ =	shalt  }
0x69: {  	_ =	shalt  }
0x6a: {  	_ =	shalt  }
0x6b: {  	_ =	shalt  }
0x6c: {  	_ =	shalt  }
0x6d: {  	_ =	shalt  }
0x6e: {  	_ =	shalt  }
0x6f: {  	_ =	shalt  }
0x70: {  	_ =	shalt  }
0x71: {  	_ =	shalt  }
0x72: {  	_ =	shalt  }
0x73: {  	_ =	shalt  }
0x74: {  	_ =	shalt  }
0x75: {  	_ =	shalt  }
0x76: {  	_ =	shalt  }
0x77: {  	_ =	shalt  }
0x78: {  	_ =	shalt  }
0x79: {  	_ =	shalt  }
0x7a: {  	_ =	shalt  }
0x7b: {  	_ =	shalt  }
0x7c: {  	_ =	shalt  }
0x7d: {  	_ =	shalt  }
0x7e: {  	_ =	shalt  }
0x7f: {  	_ =	shalt  }
0x80: {  	_ =	shalt  }
0x81: {  	_ =	shalt  }
0x82: {  	_ =	shalt  }
0x83: {  	_ =	shalt  }
0x84: {  	_ =	shalt  }
0x85: {  	_ =	shalt  }
0x86: {  	_ =	shalt  }
0x87: {  	_ =	shalt  }
.Lfunc_end0:
.L_simem_size_0:
called_computation.1_lowered:
.L_overlay_start_0:
0x88: {  	s2 =	sld [smem:$0x3FD9]  }
0x89: {  	s3 =	sld [smem:$0x3FFE];
	_ =	sdelay $0x1  }
0x8a: {  	s1 =	srdreg.scid  }
0x8b: {  	s0 =	sand.u32 $0x1, s1  }
0x8c: {  	s16 =	sshll.u32 s0, $0xA;
	s2 =	sadd.s32 s3, s2  }
0x8d: {  	s2 =	sadd.s32 s2, s16  }
0x8e: {  	[smem:$0x3FB8] =	sst s2  }
0x8f: {  	_ = 	snop  }
0x90: {  	(tm) =	ssettm $0x1  }
0x91: {  	s17 =	sld [smem:$0x3FFB];
	_ =	sdelay $0x3  }
0x92: {  	_ =	strace s17  }
0x93: {  	s2 =	sld [smem:$0x3FFC];
	_ =	sdelay $0x3  }
0x94: {  	_ =	strace s2  }
0x95: {  	s2 =	sld [smem:$0x3FFD];
	_ =	sdelay $0x3  }
0x96: {  	_ =	strace s2  }
0x97: {  	_ =	strace $0x8FFFFFFF  }
0x98: {  	s18 =	sld [smem:$0x3FDB];
	_ =	sdelay $0x1  }
0x99: {  	s19 =	simm.s32 $_scs_section_size  }
0x9a: {  	s4 =	simm.s32 $_size__tile_overlayer_lowered;
	s5 =	simm.s32 $_tile_overlayer_lowered  }
0x9b: {  	s22 =	simm.s32 $0x1BFF;
	s21 =	sshll.u32 s5, $0x1;
	s2 =	sadd.s32 s19, s18  }
0x9c: {  	s6 =	simm.s32 $0x0;
	s20 =	sshll.u32 s4, $0x1;
	s4 =	sadd.s32 s21, s2  }
0x9d: {  	[timem:s6], [sflag:s22] =	dma.local [hbm:s4], s20  }
0x9e: {  	_ =	swait.ge [sflag:s22], s20  }
0x9f: {  	s3 =	ssub.s32 $0x0, s20;
	[sflag:s22] =	ssyncset.done $0x0  }
0xa0: {  	[sflag:s22] =	ssyncadd.s32 s3;
	_ =	sdelay $0x1  }
0xa1: {  	s23 =	simm.s32 $0x1B8B  }
0xa2: {  	_ =	swait.ge [sflag:s23], $0x1  }
0xa3: {  	[sflag:s23] =	ssyncset.done $0x0  }
0xa4: {  	s25 =	simm.s32 $0x1B8E;
	s24 =	sld [smem:$0x3FFE];
	[sflag:s23] =	ssyncadd.s32 $0xFFFFFFFF  }
0xa5: {  	s26 =	simm.s32 $execute0_lowered;
	[smem:$0x3FD2] =	sst s25  }
0xa6: {  	s4 =	sshll.u32 s26, $0x1;
	_ =	strace $0x80000049;
	[dreg:$0x1] =	wrdreg $0xFFFFFFFF  }
0xa7: {  	s28 =	simm.s32 $_size_execute0_lowered;
	s2 =	sadd.s32 s2, s4;
	[dreg:$0x0] =	wrdreg $0x0  }
0xa8: {  	s4 =	sshll.u32 s28, $0x1;
	[dreg:$0x2] =	wrdreg s2  }
0xa9: {  	[dreg:$0x3] =	wrdreg s4  }
0xaa: {  	[dreg:$0x4] =	wrdreg $0xC0  }
0xab: {  	_ =	task [dreg:s6], $0x5FFFF  }
0xac: {  	[dreg:$0x1] =	wrdreg $0xFFFFFFFF  }
0xad: {  	[dreg:$0x0] =	wrdreg $0x60  }
0xae: {  	[dreg:$0x2] =	wrdreg s24  }
0xaf: {  	[dreg:$0x3] =	wrdreg $0x9  }
0xb0: {  	_ =	task.clear_ibuf [dreg:s6], $0x4FFFF;
	_ =	strace $0x90000049  }
0xb1: {  	s29 =	simm.s32 $0x9;
	_ =	strace $0x8000004B  }
0xb2: {  	_ =	swait.ge [sflag:s29], $0x1  }
0xb3: {  	[sflag:s29] =	ssyncadd.s32 $0xFFFFFFFF  }
0xb4: {  	_ =	strace $0x9000004B  }
0xb5: {  	_ =	sfence  }
0xb6: {  	s30 =	sld [smem:$0x0];
	_ =	sdelay $0x2  }
0xb7: {  	s31 =	sshll.u32 s1, $0xD;
	s1 =	sshrl.u32 s1, $0x2  }
0xb8: {  	s3 =	sand.u32 $0x4000, s31;
	s1 =	sadd.s32 s1, s30  }
0xb9: {  	s0 =	sor.u32 s3, s0;
	s1 =	sshll.u32 s1, $0x11  }
0xba: {  	s0 =	sor.u32 s1, s0  }
0xbb: {  	s0 =	sadd.s32 $0x8F2B, s0  }
0xbc: {  	[sflag:s0] =	ssyncadd.remote.s32 $0x1  }
0xbd: {  	_ =	sfence.sel $0xFFFF  }
0xbe: {  	[dreg:$0x0] =	wrdreg $0xFFFFFFFF;
	(pc) =	sbr.abs _section_cstart, $3  }
0xbf: {  	[dreg:$0x1] =	wrdreg $0xFFFFFFFF  }
0xc0: {  	_ =	task.clear_ibuf [dreg:s6], $0x2FFFF;
	_ =	strace $0x9FFFFFFF  }
0xc1: {  	(tm) =	ssettm $0x7FFFFFFF  }
tec
execute0_lowered:
.L_overlay_start_1:
0x0: {  	(tag) =	ssettag $0x1  }
0x1: {  	s4 =	rddreg [dreg:$0x0]  }
0x2: {  	s0 =	rddreg [dreg:$0x1];
	s1 =	simm.s32 $0x0  }
0x3: {  	s5 =	srdreg.scid;
	s2 =	stileid.u32;
	s11 =	simm.s32 $0x80  }
0x4: {  	s12 =	simm.s32 $0x1;
	[smem:$0x7FF] =	sst s1;
	s3 =	sadd.s32 $0x189A00, s4  }
0x5: {  	s5 =	sand.u32 $0x1, s5;
	s7 =	sshll.u32 s2, $0x6;
	s8 =	sadd.s32 $0x189600, s4  }
0x6: {  	s31 =	sadd.s32 $0x188C00, s4;
	s6 =	ssub.s32 $0x2, s5;
	s5 =	sshll.u32 s5, $0x5  }
0x7: {  	_ =	strace $0x8000004A;
	s9 =	sshrl.u32 s6, $0x1;
	s5 =	sor.u32 s5, s7  }
0x8: {  	s9 =	ssub.s32 s6, s9;
	s10 =	sor.u32 $0x10, s5;
	s4 =	sadd.s32 s8, s5  }
0x9: {  	s5 =	sadd.s32 s31, s5;
	s6 =	sadd.s32 s8, s10;
	s7 =	sadd.s32 s31, s10  }
0xa: {  	s8 =	smax.u32 s9, $0x1;
	s9 =	simm.s32 $0x2;
	s10 =	simm.s32 $0x100  }
.LBB2_1:
0xb: {  	[tilespmem:s1], [sflag:$0x2] =	stream.linear.gather [hbm4b:s4+s1], $0x80, $0x38;
	[tilespmem:$0x180] =	vst v63  }
0xc: {  	_ =	swait.ge [sflag:s9], $0x80  }
0xd: {  	[sflag:s9] =	ssyncset.done $0x0  }
0xe: {  	[sflag:s9] =	ssyncadd.s32 $0xFFFFFF80  }
0xf: {  	[tilespmem:s10], [sflag:$0x2] =	stream.linear.gather [hbm4b:s5+s1], $0x80, $0x38;
	[tilespmem:$0x180] =	vst v63  }
0x10: {  	_ =	swait.ge [sflag:s9], $0x80  }
0x11: {  	[sflag:s9] =	ssyncset.done $0x0  }
0x12: {  	[sflag:s9] =	ssyncadd.s32 $0xFFFFFF80  }
0x13: {  	[tilespmem:s11], [sflag:$0x1] =	stream.indirect.gather [hbm4b:s3+s11], $0x1, s1, s11, $0xb8;
	[tilespmem:$0x180] =	vst v63  }
0x14: {  	_ =	swait.ge [sflag:s12], $0x80  }
0x15: {  	[sflag:s12] =	ssyncset.done $0x0  }
0x16: {  	[sflag:s12] =	ssyncadd.s32 $0xFFFFFF80  }
0x17: {  	v0 =	vld [tilespmem:$0x80]  }
0x18: {  	v1 =	vld [tilespmem:$0x100]  }
0x19: {  	v2 =	vld [tilespmem:$0x90]  }
0x1a: {  	v3 =	vld [tilespmem:$0x110]  }
0x1b: {  	v4 =	vld [tilespmem:$0xA0]  }
0x1c: {  	v5 =	vld [tilespmem:$0x120]  }
0x1d: {  	v6 =	vld [tilespmem:$0xB0]  }
0x1e: {  	v7 =	vld [tilespmem:$0x130]  }
0x1f: {  	v8 =	vld [tilespmem:$0xC0]  }
0x20: {  	v9 =	vld [tilespmem:$0x140]  }
0x21: {  	v10 =	vld [tilespmem:$0xD0]  }
0x22: {  	v11 =	vld [tilespmem:$0x150]  }
0x23: {  	v12 =	vld [tilespmem:$0xE0]  }
0x24: {  	v33 =	vld [tilespmem:$0x160];
	v0 =	vadd.f32 v1, v0  }
0x25: {  	v34 =	vld [tilespmem:$0xF0];
	v2 =	vadd.f32 v3, v2  }
0x26: {  	v36 =	vld [tilespmem:$0x170];
	v35 =	vadd.f32 v5, v4;
	[tilespmem:$0x80] =	vst v0  }
0x27: {  	v37 =	vadd.f32 v7, v6;
	[tilespmem:$0x90] =	vst v2  }
0x28: {  	v38 =	vadd.f32 v9, v8;
	[tilespmem:$0xA0] =	vst v35  }
0x29: {  	v39 =	vadd.f32 v11, v10;
	[tilespmem:$0xB0] =	vst v37  }
0x2a: {  	v40 =	vadd.f32 v33, v12;
	[tilespmem:$0xC0] =	vst v38  }
0x2b: {  	v41 =	vadd.f32 v36, v34;
	[tilespmem:$0xD0] =	vst v39  }
0x2c: {  	[tilespmem:$0xE0] =	vst v40  }
0x2d: {  	[tilespmem:$0xF0] =	vst v41  }
0x2e: {  	[hbm4b:s3+s11] =	stream.indirect.scatter [tilespmem:s11], [sflag:$0x1], $0x1, s1, s11, $0xb8;
	[tilespmem:$0x180] =	vst v63  }
0x2f: {  	_ =	swait.ge [sflag:s12], $0x80  }
0x30: {  	[sflag:s12] =	ssyncset.done $0x0  }
0x31: {  	[sflag:s12] =	ssyncadd.s32 $0xFFFFFF80  }
0x32: {  	[tilespmem:s1], [sflag:$0x2] =	stream.linear.gather [hbm4b:s6+s1], $0x80, $0x38;
	[tilespmem:$0x180] =	vst v63  }
0x33: {  	_ =	swait.ge [sflag:s9], $0x80  }
0x34: {  	[sflag:s9] =	ssyncset.done $0x0  }
0x35: {  	[sflag:s9] =	ssyncadd.s32 $0xFFFFFF80  }
0x36: {  	[tilespmem:s10], [sflag:$0x2] =	stream.linear.gather [hbm4b:s7+s1], $0x80, $0x38;
	[tilespmem:$0x180] =	vst v63  }
0x37: {  	_ =	swait.ge [sflag:s9], $0x80  }
0x38: {  	[sflag:s9] =	ssyncset.done $0x0  }
0x39: {  	[sflag:s9] =	ssyncadd.s32 $0xFFFFFF80  }
0x3a: {  	[tilespmem:s11], [sflag:$0x1] =	stream.indirect.gather [hbm4b:s3+s11], $0x1, s1, s11, $0xb8;
	[tilespmem:$0x180] =	vst v63  }
0x3b: {  	_ =	swait.ge [sflag:s12], $0x80  }
0x3c: {  	[sflag:s12] =	ssyncset.done $0x0  }
0x3d: {  	[sflag:s12] =	ssyncadd.s32 $0xFFFFFF80  }
0x3e: {  	v42 =	vld [tilespmem:$0x80]  }
0x3f: {  	v43 =	vld [tilespmem:$0x100]  }
0x40: {  	v44 =	vld [tilespmem:$0x90]  }
0x41: {  	v45 =	vld [tilespmem:$0x110]  }
0x42: {  	v46 =	vld [tilespmem:$0xA0]  }
0x43: {  	v47 =	vld [tilespmem:$0x120]  }
0x44: {  	v48 =	vld [tilespmem:$0xB0]  }
0x45: {  	v49 =	vld [tilespmem:$0x130]  }
0x46: {  	v50 =	vld [tilespmem:$0xC0]  }
0x47: {  	v51 =	vld [tilespmem:$0x140]  }
0x48: {  	v52 =	vld [tilespmem:$0xD0]  }
0x49: {  	v53 =	vld [tilespmem:$0x150]  }
0x4a: {  	v54 =	vld [tilespmem:$0xE0]  }
0x4b: {  	v55 =	vld [tilespmem:$0x160];
	v0 =	vadd.f32 v43, v42  }
0x4c: {  	v56 =	vld [tilespmem:$0xF0];
	v2 =	vadd.f32 v45, v44  }
0x4d: {  	v58 =	vld [tilespmem:$0x170];
	v57 =	vadd.f32 v47, v46;
	[tilespmem:$0x80] =	vst v0  }
0x4e: {  	v59 =	vadd.f32 v49, v48;
	[tilespmem:$0x90] =	vst v2  }
0x4f: {  	v60 =	vadd.f32 v51, v50;
	[tilespmem:$0xA0] =	vst v57  }
0x50: {  	v61 =	vadd.f32 v53, v52;
	[tilespmem:$0xB0] =	vst v59  }
0x51: {  	v62 =	vadd.f32 v55, v54;
	[tilespmem:$0xC0] =	vst v60  }
0x52: {  	v63 =	vadd.f32 v58, v56;
	[tilespmem:$0xD0] =	vst v61  }
0x53: {  	p0 =	sne.s32 s8, $0x1;
	[tilespmem:$0xE0] =	vst v62  }
.Ltmp0:
0x54: {  	[tilespmem:$0xF0] =	vst v63;
	(pc) =	sbr.rel @p0 .LBB2_1-.Ltmp0, $4  }
0x55: {  	[hbm4b:s3+s11] =	stream.indirect.scatter [tilespmem:s11], [sflag:$0x1], $0x1, s1, s11, $0xb8;
	[tilespmem:$0x180] =	vst v63  }
0x56: {  	_ =	swait.ge [sflag:s12], $0x80  }
0x57: {  	[sflag:s12] =	ssyncset.done $0x0  }
0x58: {  	s8 =	sadd.s32 $0xFFFFFFFF, s8;
	[sflag:s12] =	ssyncadd.s32 $0xFFFFFF80  }
0x59: {  	_ =	sfence.sel $0x180000  }
0x5a: {  	[bflag:$0x0] =	sbarrier.arrive $0xFFFF  }
0x5b: {  	p0 =	sne.s32 s2, $0x0;
	_ =	strace $0x9000004A  }
0x5c: {  	s0 =	sadd.s32 @!p0 $0x100000, s0;
	[bflag:$0x2] =	sbarrier.arrive $0xFFFF  }
0x5d: {  	[sflag:s0] =	ssyncadd.tile.s32 @!p0 $0x1;
	_ =	shalt  }
.Lfunc_end2:
_tile_overlayer_lowered:
.L_overlay_start_2:
0x5e: {  	(tag) =	ssettag $0x2  }
0x5f: {  	s0 =	rddreg [dreg:$0x0];
	s2 =	stileid.u32  }
0x60: {  	s1 =	rddreg [dreg:$0x1];
	p0 =	sne.s32 s2, $0x0  }
0x61: {  	s3 =	rddreg [dreg:$0x2];
	[bflag:$0x3] =	sbarrier.arrive $0xFFFF;
	s2 =	simm.s32 @!p0 $0x1C02  }
0x62: {  	[timem:s3], [sflag:s2] =	dma.local @!p0 [hbm:s0], s1  }
0x63: {  	s0 =	simm.s32 @!p0 $0x2  }
0x64: {  	_ =	swait.ge @!p0 [sflag:s0], s1  }
0x65: {  	s1 =	ssub.s32 @!p0 $0x0, s1;
	[sflag:s0] =	ssyncset.done @!p0 $0x0  }
0x66: {  	[sflag:s0] =	ssyncadd.s32 @!p0 s1  }
0x67: {  	[bflag:$0x3] =	sbarrier.arrive $0xFFFF  }
0x68: {  	_ =	shalt  }

</sc_bundles>
